<compile_context>
chip_gen: v7x
topology: tpu7x:2x2x1
jax: 0.10.2.dev20260603
libtpu: 0.0.44.dev20260713+nightly
codegen_flags: <defaults>
</compile_context>

<pallas_src>
import functools
import jax
import jax.numpy as jnp
import numpy as np
from jax import lax
from jax.experimental import pallas as pl
from jax.experimental.pallas import tpu as pltpu
from jax.experimental.pallas import tpu_sc as plsc

_B, _C, _L = 16, 512, 2048
_S = 4
_LS = _L // _S
_K = _LS
_BLK = 128

_DEF = jax.lax.Precision.DEFAULT


def _dot(a, b):
    return jax.lax.dot_general(a, b, (((1,), (0,)), ((), ())),
                               precision=_DEF,
                               preferred_element_type=jnp.float32)


def _front_body(x_ref, t_ref, wflat_ref, bconv_ref, cbt_ref, c2_ref,
                xde_ref, idx_ref):
    T = t_ref[...]
    xr = x_ref[0].astype(jnp.bfloat16)
    ys = [_dot(xr[:, 512 * m:512 * (m + 1)], T) for m in range(4)]
    xks = [jnp.concatenate([ys[m][:, k * _BLK:(k + 1) * _BLK]
                            for m in range(4)], axis=1) for k in range(_S)]
    xcol = jnp.concatenate(xks, axis=0)
    x_de = _dot(wflat_ref[...], xcol) + bconv_ref[...]
    x2 = jnp.sum(x_de * x_de, axis=1, keepdims=True)
    scores = _dot(x_de, cbt_ref[...])
    d2 = x2 + c2_ref[...] - 2.0 * scores
    m = jnp.min(d2, axis=1, keepdims=True)
    iota = jax.lax.broadcasted_iota(jnp.int32, (_C, _K), 1)
    idx = jnp.min(jnp.where(d2 == m, iota, _K), axis=1, keepdims=True)
    xde_ref[0] = x_de
    idx_ref[0] = idx


def _back_body(xde_ref, q_ref, w1_ref, b1_ref, w2_ref, b2_ref, out_ref):
    x_de = xde_ref[0]
    q = q_ref[0]
    t = x_de - q
    h = jnp.maximum(_dot(w1_ref[...], t) + b1_ref[...], 0.0)
    z = _dot(w2_ref[...], h) + b2_ref[...]
    out_ref[0] = z + q


def _sc_gather(table, idx_flat):
    info = plsc.get_sparse_core_info()
    NC, NS = info.num_cores, info.num_subcores
    NW = NC * NS
    Btot = idx_flat.shape[0]
    b_per_w = Btot // NW
    mesh = plsc.VectorSubcoreMesh(core_axis_name="c", subcore_axis_name="s")

    CH = 16
    @functools.partial(
        pl.kernel, mesh=mesh,
        out_type=jax.ShapeDtypeStruct((Btot, _LS), jnp.float32),
        scratch_types=[
            pltpu.VMEM((CH,), jnp.int32),
            pltpu.VMEM((CH, _LS), jnp.float32),
            pltpu.SemaphoreType.DMA,
        ],
    )
    def k(table_hbm, idx_hbm, out_hbm, idx_v, rows_v, sem):
        wid = lax.axis_index("s") * NC + lax.axis_index("c")
        base = wid * b_per_w
        for g in range(b_per_w // CH):
            pltpu.sync_copy(idx_hbm.at[pl.ds(base + g * CH, CH)], idx_v)
            pltpu.async_copy(table_hbm.at[idx_v], rows_v, sem).wait()
            pltpu.sync_copy(rows_v, out_hbm.at[pl.ds(base + g * CH, CH)])

    return k(table, idx_flat)


def kernel(x, W_conv, b_conv, codebook, W1, b1, W2, b2):
    wflat = W_conv.transpose(0, 2, 1).reshape(_C, _S * _C)
    c2 = jnp.sum(codebook * codebook, axis=-1)[None, :]
    cbt = codebook.T
    a = jnp.arange(512, dtype=jnp.int32)
    kk, tt = a // _BLK, a % _BLK
    src = 4 * tt + kk
    T = (a[:, None] == src[None, :]).astype(jnp.bfloat16)

    full = lambda s: pl.BlockSpec(s, lambda b: (0,) * len(s))
    x_de, idx = pl.pallas_call(
        _front_body,
        grid=(_B,),
        in_specs=[
            pl.BlockSpec((1, _C, _L), lambda b: (b, 0, 0)),
            full((512, 512)),
            full((_C, _C * _S)),
            full((_C, 1)),
            full((_LS, _K)),
            full((1, _K)),
        ],
        out_specs=[pl.BlockSpec((1, _C, _LS), lambda b: (b, 0, 0)),
                   pl.BlockSpec((1, _C, 1), lambda b: (b, 0, 0))],
        out_shape=[jax.ShapeDtypeStruct((_B, _C, _LS), jnp.float32),
                   jax.ShapeDtypeStruct((_B, _C, 1), jnp.int32)],
        compiler_params=pltpu.CompilerParams(
            dimension_semantics=("arbitrary",),
        ),
    )(x, T, wflat, b_conv[:, None], cbt, c2)

    q = _sc_gather(codebook, idx.reshape(_B * _C))
    q = q.reshape(_B, _C, _LS)

    out = pl.pallas_call(
        _back_body,
        grid=(_B,),
        in_specs=[
            pl.BlockSpec((1, _C, _LS), lambda b: (b, 0, 0)),
            pl.BlockSpec((1, _C, _LS), lambda b: (b, 0, 0)),
            full((_C, _C)),
            full((_C, 1)),
            full((_C, _C)),
            full((_C, 1)),
        ],
        out_specs=pl.BlockSpec((1, _C, _LS), lambda b: (b, 0, 0)),
        out_shape=jax.ShapeDtypeStruct((_B, _C, _LS), jnp.float32),
        compiler_params=pltpu.CompilerParams(
            dimension_semantics=("arbitrary",),
        ),
    )(x_de, q, W1, b1[:, None], W2, b2[:, None])
    return out

# --- scband reference (transcript-rebuilt; emitter-appended) ---
"""Pipeline reference for scband-model-27015344292115 (READ-ONLY COPY).

The authoritative reference and input builder live on the scoring server;
editing this copy changes nothing except your own understanding.
"""

import jax, jax.numpy as jnp
import numpy as np

# Faithful JAX port of Pre_Block.forward (the VQ-codebook core of this Model).
# Note: the torch Model.forward / forecast_ICML references many undefined attributes
# (self.decomp, self.enc_embedding_1, self.encoder_ICML_1, ...) and Pre_Block uses
# self.use_revin which is never set. We implement the runnable VQ path:
# Pre_Block with downsample=2 (so l_size = seq_len/4 = 512 == enc_in, which is
# REQUIRED for torch.cdist(x_de, codebook) to be shape-valid), x_low=None,
# use_revin=False.
#   x_de = Conv1d(C,C,k=4,s=4)(x)
#   distances = cdist(x_de, codebook); idx = argmin; quantized = codebook[idx]
#   trend = MLP(x_de - quantized, applied over permuted dims); out = trend + quantized
# argmin over squared distances equals argmin over euclidean distances (monotone),
# so we skip the sqrt for numerical safety; the result is identical.

B, C, L = 16, 512, 2048
DOWN = 2
STRIDE = 2 ** DOWN  # 4
LSIZE = L // STRIDE  # 512 == C (required by torch.cdist shape semantics here)


def setup_inputs(seed: int = 0) -> dict:
    key = jax.random.key(seed)
    ks = jax.random.split(key, 8)
    x = jax.random.normal(ks[0], (B, C, L), dtype=jnp.float32)
    W_conv = jax.random.normal(ks[1], (C, C, STRIDE), dtype=jnp.float32) * (1.0 / np.sqrt(C * STRIDE))
    b_conv = jnp.zeros((C,), dtype=jnp.float32)
    codebook = jax.random.normal(ks[2], (LSIZE, C), dtype=jnp.float32)
    W1 = jax.random.normal(ks[3], (LSIZE, LSIZE), dtype=jnp.float32) * (1.0 / np.sqrt(LSIZE))
    b1 = jnp.zeros((LSIZE,), dtype=jnp.float32)
    W2 = jax.random.normal(ks[4], (LSIZE, LSIZE), dtype=jnp.float32) * (1.0 / np.sqrt(LSIZE))
    b2 = jnp.zeros((LSIZE,), dtype=jnp.float32)
    return {"x": x, "W_conv": W_conv, "b_conv": b_conv, "codebook": codebook,
            "W1": W1, "b1": b1, "W2": W2, "b2": b2}


def reference(x, W_conv, b_conv, codebook, W1, b1, W2, b2):
    # Conv1d(in=C, out=C, kernel=4, stride=4)
    x_de = jax.lax.conv_general_dilated(
        x, W_conv, window_strides=(STRIDE,), padding='VALID',
        dimension_numbers=('NCH', 'OIH', 'NCH'))
    x_de = x_de + b_conv[None, :, None]  # [B, C, LSIZE]
    # torch.cdist(x_de, codebook): points are rows of the last-2D slices;
    # feature dim of x_de rows = LSIZE, of codebook rows = C (equal by construction)
    x2 = jnp.sum(x_de * x_de, axis=-1, keepdims=True)          # [B, C, 1]
    c2 = jnp.sum(codebook * codebook, axis=-1)                 # [LSIZE]
    d2 = x2 + c2[None, None, :] - 2.0 * jnp.einsum('bil,kl->bik', x_de, codebook)
    encoding_indices = jnp.argmin(d2, axis=-1)                 # [B, C]
    quantized = jnp.take(codebook, encoding_indices, axis=0)   # [B, C, LSIZE]
    x_de_trend = x_de - quantized
    # mapping applied on permute(0, 2, 1): MLP over the channel axis (size C == LSIZE)
    t = jnp.transpose(x_de_trend, (0, 2, 1))
    t = jnp.maximum(jnp.dot(t, W1.T) + b1, 0.0)
    t = jnp.dot(t, W2.T) + b2
    x_de_trend = jnp.transpose(t, (0, 2, 1))
    x_de_out = x_de_trend + quantized
    return x_de_out

if __name__ == "__main__":
    import jax
    _d = setup_inputs()
    print(jax.jit(kernel)(*tuple(_d.values())))

</pallas_src>

<mosaic_0001>
#map = affine_map<(d0, d1) -> (0, 0)>
#map1 = affine_map<(d0, d1) -> (0)>
module attributes {stable_mosaic.version = 14 : i64} {
  func.func @k(%arg0: i32, %arg1: i32, %arg2: memref<512x512xf32, #tpu.memory_space<hbm>>, %arg3: memref<8192xi32, #tpu.memory_space<hbm>>, %arg4: memref<8192x512xf32, #tpu.memory_space<hbm>>, %arg5: memref<16xi32, #tpu.memory_space<vmem>>, %arg6: memref<16x512xf32, #tpu.memory_space<vmem>>, %arg7: memref<!tpu.dma_semaphore, #tpu.memory_space<semaphore_mem>>) attributes {dimension_semantics = [#tpu.dimension_semantics<core_parallel>, #tpu.dimension_semantics<subcore_parallel>], iteration_bounds = array<i64: 2, 16>, scalar_prefetch = 0 : i64, scratch_operands = 3 : i64, tpu.core_type = #tpu.core_type<sc_vector_subcore>, window_params = [{transform_indices = #map}, {transform_indices = #map1}, {transform_indices = #map}]} {
    %mul3A = arith.constant 2 : i32
    %mul3A_0 = arith.muli %arg1, %mul3A : i32
    %add3A = arith.addi %mul3A_0, %arg0 : i32
    %mul3A_1 = arith.constant 256 : i32
    %mul3A_2 = arith.muli %add3A, %mul3A_1 : i32
    %add3A_3 = arith.constant 0 : i32
    %add3A_4 = arith.addi %mul3A_2, %add3A_3 : i32
    "tpu.region"() ({
      %run_scoped3A = tpu.sem_alloc : memref<!tpu.dma_semaphore, #tpu.memory_space<semaphore_mem>>
      %dma_start3A_161 = tpu.memref_slice %arg3[%add3A_4] : memref<8192xi32, #tpu.memory_space<hbm>> -> memref<16xi32, #tpu.memory_space<hbm>>
      %dma_start3A_162 = tpu.memref_slice %arg3[%add3A_4] : memref<8192xi32, #tpu.memory_space<hbm>> -> memref<16xi32, #tpu.memory_space<hbm>>
      tpu.enqueue_dma source(%dma_start3A_162 : memref<16xi32, #tpu.memory_space<hbm>>) target(%arg5 : memref<16xi32, #tpu.memory_space<vmem>>) target_semaphore(%run_scoped3A : memref<!tpu.dma_semaphore, #tpu.memory_space<semaphore_mem>>)
      %dma_wait3A_163 = tpu.memref_slice %arg3[%add3A_4] : memref<8192xi32, #tpu.memory_space<hbm>> -> memref<16xi32, #tpu.memory_space<hbm>>
      %dma_wait3A_164 = tpu.memref_slice %arg3[%add3A_4] : memref<8192xi32, #tpu.memory_space<hbm>> -> memref<16xi32, #tpu.memory_space<hbm>>
      tpu.wait_dma2 semaphore(%run_scoped3A : memref<!tpu.dma_semaphore, #tpu.memory_space<semaphore_mem>>) src(%dma_wait3A_164 : memref<16xi32, #tpu.memory_space<hbm>>) dst(%arg5 : memref<16xi32, #tpu.memory_space<vmem>>)
      tpu.yield
    }) : () -> ()
    %dma_start3A = arith.constant 0 : i32
    %dma_start3A_5 = arith.constant 0 : i32
    %dma_start3A_6 = tpu.memref_slice %arg2[%dma_start3A, %dma_start3A_5] : memref<512x512xf32, #tpu.memory_space<hbm>> -> memref<512x512xf32, #tpu.memory_space<hbm>>
    tpu.enqueue_indirect_dma source(%dma_start3A_6 : memref<512x512xf32, #tpu.memory_space<hbm>>) target(%arg6 : memref<16x512xf32, #tpu.memory_space<vmem>>) offsets(%arg5 : memref<16xi32, #tpu.memory_space<vmem>>) semaphore(%arg7 : memref<!tpu.dma_semaphore, #tpu.memory_space<semaphore_mem>>)
    %dma_wait3A = arith.constant 0 : i32
    %dma_wait3A_7 = arith.constant 0 : i32
    %dma_wait3A_8 = tpu.memref_slice %arg2[%dma_wait3A, %dma_wait3A_7] : memref<512x512xf32, #tpu.memory_space<hbm>> -> memref<512x512xf32, #tpu.memory_space<hbm>>
    tpu.wait_indirect_dma semaphore(%arg7 : memref<!tpu.dma_semaphore, #tpu.memory_space<semaphore_mem>>) src(%dma_wait3A_8 : memref<512x512xf32, #tpu.memory_space<hbm>>) dst(%arg6 : memref<16x512xf32, #tpu.memory_space<vmem>>)
    %add3A_9 = arith.constant 0 : i32
    %add3A_10 = arith.addi %mul3A_2, %add3A_9 : i32
    "tpu.region"() ({
      %run_scoped3A = tpu.sem_alloc : memref<!tpu.dma_semaphore, #tpu.memory_space<semaphore_mem>>
      %dma_start3A_161 = arith.constant 0 : i32
      %dma_start3A_162 = tpu.memref_slice %arg4[%add3A_10, %dma_start3A_161] : memref<8192x512xf32, #tpu.memory_space<hbm>> -> memref<16x512xf32, #tpu.memory_space<hbm>>
      %dma_start3A_163 = arith.constant 0 : i32
      %dma_start3A_164 = tpu.memref_slice %arg4[%add3A_10, %dma_start3A_163] : memref<8192x512xf32, #tpu.memory_space<hbm>> -> memref<16x512xf32, #tpu.memory_space<hbm>>
      tpu.enqueue_dma source(%arg6 : memref<16x512xf32, #tpu.memory_space<vmem>>) target(%dma_start3A_164 : memref<16x512xf32, #tpu.memory_space<hbm>>) target_semaphore(%run_scoped3A : memref<!tpu.dma_semaphore, #tpu.memory_space<semaphore_mem>>)
      %dma_wait3A_165 = arith.constant 0 : i32
      %dma_wait3A_166 = tpu.memref_slice %arg4[%add3A_10, %dma_wait3A_165] : memref<8192x512xf32, #tpu.memory_space<hbm>> -> memref<16x512xf32, #tpu.memory_space<hbm>>
      %dma_wait3A_167 = arith.constant 0 : i32
      %dma_wait3A_168 = tpu.memref_slice %arg4[%add3A_10, %dma_wait3A_167] : memref<8192x512xf32, #tpu.memory_space<hbm>> -> memref<16x512xf32, #tpu.memory_space<hbm>>
      tpu.wait_dma2 semaphore(%run_scoped3A : memref<!tpu.dma_semaphore, #tpu.memory_space<semaphore_mem>>) src(%arg6 : memref<16x512xf32, #tpu.memory_space<vmem>>) dst(%dma_wait3A_168 : memref<16x512xf32, #tpu.memory_space<hbm>>)
      tpu.yield
    }) : () -> ()
    %add3A_11 = arith.constant 16 : i32
    %add3A_12 = arith.addi %mul3A_2, %add3A_11 : i32
    "tpu.region"() ({
      %run_scoped3A = tpu.sem_alloc : memref<!tpu.dma_semaphore, #tpu.memory_space<semaphore_mem>>
      %dma_start3A_161 = tpu.memref_slice %arg3[%add3A_12] : memref<8192xi32, #tpu.memory_space<hbm>> -> memref<16xi32, #tpu.memory_space<hbm>>
      %dma_start3A_162 = tpu.memref_slice %arg3[%add3A_12] : memref<8192xi32, #tpu.memory_space<hbm>> -> memref<16xi32, #tpu.memory_space<hbm>>
      tpu.enqueue_dma source(%dma_start3A_162 : memref<16xi32, #tpu.memory_space<hbm>>) target(%arg5 : memref<16xi32, #tpu.memory_space<vmem>>) target_semaphore(%run_scoped3A : memref<!tpu.dma_semaphore, #tpu.memory_space<semaphore_mem>>)
      %dma_wait3A_163 = tpu.memref_slice %arg3[%add3A_12] : memref<8192xi32, #tpu.memory_space<hbm>> -> memref<16xi32, #tpu.memory_space<hbm>>
      %dma_wait3A_164 = tpu.memref_slice %arg3[%add3A_12] : memref<8192xi32, #tpu.memory_space<hbm>> -> memref<16xi32, #tpu.memory_space<hbm>>
      tpu.wait_dma2 semaphore(%run_scoped3A : memref<!tpu.dma_semaphore, #tpu.memory_space<semaphore_mem>>) src(%dma_wait3A_164 : memref<16xi32, #tpu.memory_space<hbm>>) dst(%arg5 : memref<16xi32, #tpu.memory_space<vmem>>)
      tpu.yield
    }) : () -> ()
    %dma_start3A_13 = arith.constant 0 : i32
    %dma_start3A_14 = arith.constant 0 : i32
    %dma_start3A_15 = tpu.memref_slice %arg2[%dma_start3A_13, %dma_start3A_14] : memref<512x512xf32, #tpu.memory_space<hbm>> -> memref<512x512xf32, #tpu.memory_space<hbm>>
    tpu.enqueue_indirect_dma source(%dma_start3A_15 : memref<512x512xf32, #tpu.memory_space<hbm>>) target(%arg6 : memref<16x512xf32, #tpu.memory_space<vmem>>) offsets(%arg5 : memref<16xi32, #tpu.memory_space<vmem>>) semaphore(%arg7 : memref<!tpu.dma_semaphore, #tpu.memory_space<semaphore_mem>>)
    %dma_wait3A_16 = arith.constant 0 : i32
    %dma_wait3A_17 = arith.constant 0 : i32
    %dma_wait3A_18 = tpu.memref_slice %arg2[%dma_wait3A_16, %dma_wait3A_17] : memref<512x512xf32, #tpu.memory_space<hbm>> -> memref<512x512xf32, #tpu.memory_space<hbm>>
    tpu.wait_indirect_dma semaphore(%arg7 : memref<!tpu.dma_semaphore, #tpu.memory_space<semaphore_mem>>) src(%dma_wait3A_18 : memref<512x512xf32, #tpu.memory_space<hbm>>) dst(%arg6 : memref<16x512xf32, #tpu.memory_space<vmem>>)
    %add3A_19 = arith.constant 16 : i32
    %add3A_20 = arith.addi %mul3A_2, %add3A_19 : i32
    "tpu.region"() ({
      %run_scoped3A = tpu.sem_alloc : memref<!tpu.dma_semaphore, #tpu.memory_space<semaphore_mem>>
      %dma_start3A_161 = arith.constant 0 : i32
      %dma_start3A_162 = tpu.memref_slice %arg4[%add3A_20, %dma_start3A_161] : memref<8192x512xf32, #tpu.memory_space<hbm>> -> memref<16x512xf32, #tpu.memory_space<hbm>>
      %dma_start3A_163 = arith.constant 0 : i32
      %dma_start3A_164 = tpu.memref_slice %arg4[%add3A_20, %dma_start3A_163] : memref<8192x512xf32, #tpu.memory_space<hbm>> -> memref<16x512xf32, #tpu.memory_space<hbm>>
      tpu.enqueue_dma source(%arg6 : memref<16x512xf32, #tpu.memory_space<vmem>>) target(%dma_start3A_164 : memref<16x512xf32, #tpu.memory_space<hbm>>) target_semaphore(%run_scoped3A : memref<!tpu.dma_semaphore, #tpu.memory_space<semaphore_mem>>)
      %dma_wait3A_165 = arith.constant 0 : i32
      %dma_wait3A_166 = tpu.memref_slice %arg4[%add3A_20, %dma_wait3A_165] : memref<8192x512xf32, #tpu.memory_space<hbm>> -> memref<16x512xf32, #tpu.memory_space<hbm>>
      %dma_wait3A_167 = arith.constant 0 : i32
      %dma_wait3A_168 = tpu.memref_slice %arg4[%add3A_20, %dma_wait3A_167] : memref<8192x512xf32, #tpu.memory_space<hbm>> -> memref<16x512xf32, #tpu.memory_space<hbm>>
      tpu.wait_dma2 semaphore(%run_scoped3A : memref<!tpu.dma_semaphore, #tpu.memory_space<semaphore_mem>>) src(%arg6 : memref<16x512xf32, #tpu.memory_space<vmem>>) dst(%dma_wait3A_168 : memref<16x512xf32, #tpu.memory_space<hbm>>)
      tpu.yield
    }) : () -> ()
    %add3A_21 = arith.constant 32 : i32
    %add3A_22 = arith.addi %mul3A_2, %add3A_21 : i32
    "tpu.region"() ({
      %run_scoped3A = tpu.sem_alloc : memref<!tpu.dma_semaphore, #tpu.memory_space<semaphore_mem>>
      %dma_start3A_161 = tpu.memref_slice %arg3[%add3A_22] : memref<8192xi32, #tpu.memory_space<hbm>> -> memref<16xi32, #tpu.memory_space<hbm>>
      %dma_start3A_162 = tpu.memref_slice %arg3[%add3A_22] : memref<8192xi32, #tpu.memory_space<hbm>> -> memref<16xi32, #tpu.memory_space<hbm>>
      tpu.enqueue_dma source(%dma_start3A_162 : memref<16xi32, #tpu.memory_space<hbm>>) target(%arg5 : memref<16xi32, #tpu.memory_space<vmem>>) target_semaphore(%run_scoped3A : memref<!tpu.dma_semaphore, #tpu.memory_space<semaphore_mem>>)
      %dma_wait3A_163 = tpu.memref_slice %arg3[%add3A_22] : memref<8192xi32, #tpu.memory_space<hbm>> -> memref<16xi32, #tpu.memory_space<hbm>>
      %dma_wait3A_164 = tpu.memref_slice %arg3[%add3A_22] : memref<8192xi32, #tpu.memory_space<hbm>> -> memref<16xi32, #tpu.memory_space<hbm>>
      tpu.wait_dma2 semaphore(%run_scoped3A : memref<!tpu.dma_semaphore, #tpu.memory_space<semaphore_mem>>) src(%dma_wait3A_164 : memref<16xi32, #tpu.memory_space<hbm>>) dst(%arg5 : memref<16xi32, #tpu.memory_space<vmem>>)
      tpu.yield
    }) : () -> ()
    %dma_start3A_23 = arith.constant 0 : i32
    %dma_start3A_24 = arith.constant 0 : i32
    %dma_start3A_25 = tpu.memref_slice %arg2[%dma_start3A_23, %dma_start3A_24] : memref<512x512xf32, #tpu.memory_space<hbm>> -> memref<512x512xf32, #tpu.memory_space<hbm>>
    tpu.enqueue_indirect_dma source(%dma_start3A_25 : memref<512x512xf32, #tpu.memory_space<hbm>>) target(%arg6 : memref<16x512xf32, #tpu.memory_space<vmem>>) offsets(%arg5 : memref<16xi32, #tpu.memory_space<vmem>>) semaphore(%arg7 : memref<!tpu.dma_semaphore, #tpu.memory_space<semaphore_mem>>)
    %dma_wait3A_26 = arith.constant 0 : i32
    %dma_wait3A_27 = arith.constant 0 : i32
    %dma_wait3A_28 = tpu.memref_slice %arg2[%dma_wait3A_26, %dma_wait3A_27] : memref<512x512xf32, #tpu.memory_space<hbm>> -> memref<512x512xf32, #tpu.memory_space<hbm>>
    tpu.wait_indirect_dma semaphore(%arg7 : memref<!tpu.dma_semaphore, #tpu.memory_space<semaphore_mem>>) src(%dma_wait3A_28 : memref<512x512xf32, #tpu.memory_space<hbm>>) dst(%arg6 : memref<16x512xf32, #tpu.memory_space<vmem>>)
    %add3A_29 = arith.constant 32 : i32
    %add3A_30 = arith.addi %mul3A_2, %add3A_29 : i32
    "tpu.region"() ({
      %run_scoped3A = tpu.sem_alloc : memref<!tpu.dma_semaphore, #tpu.memory_space<semaphore_mem>>
      %dma_start3A_161 = arith.constant 0 : i32
      %dma_start3A_162 = tpu.memref_slice %arg4[%add3A_30, %dma_start3A_161] : memref<8192x512xf32, #tpu.memory_space<hbm>> -> memref<16x512xf32, #tpu.memory_space<hbm>>
      %dma_start3A_163 = arith.constant 0 : i32
      %dma_start3A_164 = tpu.memref_slice %arg4[%add3A_30, %dma_start3A_163] : memref<8192x512xf32, #tpu.memory_space<hbm>> -> memref<16x512xf32, #tpu.memory_space<hbm>>
      tpu.enqueue_dma source(%arg6 : memref<16x512xf32, #tpu.memory_space<vmem>>) target(%dma_start3A_164 : memref<16x512xf32, #tpu.memory_space<hbm>>) target_semaphore(%run_scoped3A : memref<!tpu.dma_semaphore, #tpu.memory_space<semaphore_mem>>)
      %dma_wait3A_165 = arith.constant 0 : i32
      %dma_wait3A_166 = tpu.memref_slice %arg4[%add3A_30, %dma_wait3A_165] : memref<8192x512xf32, #tpu.memory_space<hbm>> -> memref<16x512xf32, #tpu.memory_space<hbm>>
      %dma_wait3A_167 = arith.constant 0 : i32
      %dma_wait3A_168 = tpu.memref_slice %arg4[%add3A_30, %dma_wait3A_167] : memref<8192x512xf32, #tpu.memory_space<hbm>> -> memref<16x512xf32, #tpu.memory_space<hbm>>
      tpu.wait_dma2 semaphore(%run_scoped3A : memref<!tpu.dma_semaphore, #tpu.memory_space<semaphore_mem>>) src(%arg6 : memref<16x512xf32, #tpu.memory_space<vmem>>) dst(%dma_wait3A_168 : memref<16x512xf32, #tpu.memory_space<hbm>>)
      tpu.yield
    }) : () -> ()
    %add3A_31 = arith.constant 48 : i32
    %add3A_32 = arith.addi %mul3A_2, %add3A_31 : i32
    "tpu.region"() ({
      %run_scoped3A = tpu.sem_alloc : memref<!tpu.dma_semaphore, #tpu.memory_space<semaphore_mem>>
      %dma_start3A_161 = tpu.memref_slice %arg3[%add3A_32] : memref<8192xi32, #tpu.memory_space<hbm>> -> memref<16xi32, #tpu.memory_space<hbm>>
      %dma_start3A_162 = tpu.memref_slice %arg3[%add3A_32] : memref<8192xi32, #tpu.memory_space<hbm>> -> memref<16xi32, #tpu.memory_space<hbm>>
      tpu.enqueue_dma source(%dma_start3A_162 : memref<16xi32, #tpu.memory_space<hbm>>) target(%arg5 : memref<16xi32, #tpu.memory_space<vmem>>) target_semaphore(%run_scoped3A : memref<!tpu.dma_semaphore, #tpu.memory_space<semaphore_mem>>)
      %dma_wait3A_163 = tpu.memref_slice %arg3[%add3A_32] : memref<8192xi32, #tpu.memory_space<hbm>> -> memref<16xi32, #tpu.memory_space<hbm>>
      %dma_wait3A_164 = tpu.memref_slice %arg3[%add3A_32] : memref<8192xi32, #tpu.memory_space<hbm>> -> memref<16xi32, #tpu.memory_space<hbm>>
      tpu.wait_dma2 semaphore(%run_scoped3A : memref<!tpu.dma_semaphore, #tpu.memory_space<semaphore_mem>>) src(%dma_wait3A_164 : memref<16xi32, #tpu.memory_space<hbm>>) dst(%arg5 : memref<16xi32, #tpu.memory_space<vmem>>)
      tpu.yield
    }) : () -> ()
    %dma_start3A_33 = arith.constant 0 : i32
    %dma_start3A_34 = arith.constant 0 : i32
    %dma_start3A_35 = tpu.memref_slice %arg2[%dma_start3A_33, %dma_start3A_34] : memref<512x512xf32, #tpu.memory_space<hbm>> -> memref<512x512xf32, #tpu.memory_space<hbm>>
    tpu.enqueue_indirect_dma source(%dma_start3A_35 : memref<512x512xf32, #tpu.memory_space<hbm>>) target(%arg6 : memref<16x512xf32, #tpu.memory_space<vmem>>) offsets(%arg5 : memref<16xi32, #tpu.memory_space<vmem>>) semaphore(%arg7 : memref<!tpu.dma_semaphore, #tpu.memory_space<semaphore_mem>>)
    %dma_wait3A_36 = arith.constant 0 : i32
    %dma_wait3A_37 = arith.constant 0 : i32
    %dma_wait3A_38 = tpu.memref_slice %arg2[%dma_wait3A_36, %dma_wait3A_37] : memref<512x512xf32, #tpu.memory_space<hbm>> -> memref<512x512xf32, #tpu.memory_space<hbm>>
    tpu.wait_indirect_dma semaphore(%arg7 : memref<!tpu.dma_semaphore, #tpu.memory_space<semaphore_mem>>) src(%dma_wait3A_38 : memref<512x512xf32, #tpu.memory_space<hbm>>) dst(%arg6 : memref<16x512xf32, #tpu.memory_space<vmem>>)
    %add3A_39 = arith.constant 48 : i32
    %add3A_40 = arith.addi %mul3A_2, %add3A_39 : i32
    "tpu.region"() ({
      %run_scoped3A = tpu.sem_alloc : memref<!tpu.dma_semaphore, #tpu.memory_space<semaphore_mem>>
      %dma_start3A_161 = arith.constant 0 : i32
      %dma_start3A_162 = tpu.memref_slice %arg4[%add3A_40, %dma_start3A_161] : memref<8192x512xf32, #tpu.memory_space<hbm>> -> memref<16x512xf32, #tpu.memory_space<hbm>>
      %dma_start3A_163 = arith.constant 0 : i32
      %dma_start3A_164 = tpu.memref_slice %arg4[%add3A_40, %dma_start3A_163] : memref<8192x512xf32, #tpu.memory_space<hbm>> -> memref<16x512xf32, #tpu.memory_space<hbm>>
      tpu.enqueue_dma source(%arg6 : memref<16x512xf32, #tpu.memory_space<vmem>>) target(%dma_start3A_164 : memref<16x512xf32, #tpu.memory_space<hbm>>) target_semaphore(%run_scoped3A : memref<!tpu.dma_semaphore, #tpu.memory_space<semaphore_mem>>)
      %dma_wait3A_165 = arith.constant 0 : i32
      %dma_wait3A_166 = tpu.memref_slice %arg4[%add3A_40, %dma_wait3A_165] : memref<8192x512xf32, #tpu.memory_space<hbm>> -> memref<16x512xf32, #tpu.memory_space<hbm>>
      %dma_wait3A_167 = arith.constant 0 : i32
      %dma_wait3A_168 = tpu.memref_slice %arg4[%add3A_40, %dma_wait3A_167] : memref<8192x512xf32, #tpu.memory_space<hbm>> -> memref<16x512xf32, #tpu.memory_space<hbm>>
      tpu.wait_dma2 semaphore(%run_scoped3A : memref<!tpu.dma_semaphore, #tpu.memory_space<semaphore_mem>>) src(%arg6 : memref<16x512xf32, #tpu.memory_space<vmem>>) dst(%dma_wait3A_168 : memref<16x512xf32, #tpu.memory_space<hbm>>)
      tpu.yield
    }) : () -> ()
    %add3A_41 = arith.constant 64 : i32
    %add3A_42 = arith.addi %mul3A_2, %add3A_41 : i32
    "tpu.region"() ({
      %run_scoped3A = tpu.sem_alloc : memref<!tpu.dma_semaphore, #tpu.memory_space<semaphore_mem>>
      %dma_start3A_161 = tpu.memref_slice %arg3[%add3A_42] : memref<8192xi32, #tpu.memory_space<hbm>> -> memref<16xi32, #tpu.memory_space<hbm>>
      %dma_start3A_162 = tpu.memref_slice %arg3[%add3A_42] : memref<8192xi32, #tpu.memory_space<hbm>> -> memref<16xi32, #tpu.memory_space<hbm>>
      tpu.enqueue_dma source(%dma_start3A_162 : memref<16xi32, #tpu.memory_space<hbm>>) target(%arg5 : memref<16xi32, #tpu.memory_space<vmem>>) target_semaphore(%run_scoped3A : memref<!tpu.dma_semaphore, #tpu.memory_space<semaphore_mem>>)
      %dma_wait3A_163 = tpu.memref_slice %arg3[%add3A_42] : memref<8192xi32, #tpu.memory_space<hbm>> -> memref<16xi32, #tpu.memory_space<hbm>>
      %dma_wait3A_164 = tpu.memref_slice %arg3[%add3A_42] : memref<8192xi32, #tpu.memory_space<hbm>> -> memref<16xi32, #tpu.memory_space<hbm>>
      tpu.wait_dma2 semaphore(%run_scoped3A : memref<!tpu.dma_semaphore, #tpu.memory_space<semaphore_mem>>) src(%dma_wait3A_164 : memref<16xi32, #tpu.memory_space<hbm>>) dst(%arg5 : memref<16xi32, #tpu.memory_space<vmem>>)
      tpu.yield
    }) : () -> ()
    %dma_start3A_43 = arith.constant 0 : i32
    %dma_start3A_44 = arith.constant 0 : i32
    %dma_start3A_45 = tpu.memref_slice %arg2[%dma_start3A_43, %dma_start3A_44] : memref<512x512xf32, #tpu.memory_space<hbm>> -> memref<512x512xf32, #tpu.memory_space<hbm>>
    tpu.enqueue_indirect_dma source(%dma_start3A_45 : memref<512x512xf32, #tpu.memory_space<hbm>>) target(%arg6 : memref<16x512xf32, #tpu.memory_space<vmem>>) offsets(%arg5 : memref<16xi32, #tpu.memory_space<vmem>>) semaphore(%arg7 : memref<!tpu.dma_semaphore, #tpu.memory_space<semaphore_mem>>)
    %dma_wait3A_46 = arith.constant 0 : i32
    %dma_wait3A_47 = arith.constant 0 : i32
    %dma_wait3A_48 = tpu.memref_slice %arg2[%dma_wait3A_46, %dma_wait3A_47] : memref<512x512xf32, #tpu.memory_space<hbm>> -> memref<512x512xf32, #tpu.memory_space<hbm>>
    tpu.wait_indirect_dma semaphore(%arg7 : memref<!tpu.dma_semaphore, #tpu.memory_space<semaphore_mem>>) src(%dma_wait3A_48 : memref<512x512xf32, #tpu.memory_space<hbm>>) dst(%arg6 : memref<16x512xf32, #tpu.memory_space<vmem>>)
    %add3A_49 = arith.constant 64 : i32
    %add3A_50 = arith.addi %mul3A_2, %add3A_49 : i32
    "tpu.region"() ({
      %run_scoped3A = tpu.sem_alloc : memref<!tpu.dma_semaphore, #tpu.memory_space<semaphore_mem>>
      %dma_start3A_161 = arith.constant 0 : i32
      %dma_start3A_162 = tpu.memref_slice %arg4[%add3A_50, %dma_start3A_161] : memref<8192x512xf32, #tpu.memory_space<hbm>> -> memref<16x512xf32, #tpu.memory_space<hbm>>
      %dma_start3A_163 = arith.constant 0 : i32
      %dma_start3A_164 = tpu.memref_slice %arg4[%add3A_50, %dma_start3A_163] : memref<8192x512xf32, #tpu.memory_space<hbm>> -> memref<16x512xf32, #tpu.memory_space<hbm>>
      tpu.enqueue_dma source(%arg6 : memref<16x512xf32, #tpu.memory_space<vmem>>) target(%dma_start3A_164 : memref<16x512xf32, #tpu.memory_space<hbm>>) target_semaphore(%run_scoped3A : memref<!tpu.dma_semaphore, #tpu.memory_space<semaphore_mem>>)
      %dma_wait3A_165 = arith.constant 0 : i32
      %dma_wait3A_166 = tpu.memref_slice %arg4[%add3A_50, %dma_wait3A_165] : memref<8192x512xf32, #tpu.memory_space<hbm>> -> memref<16x512xf32, #tpu.memory_space<hbm>>
      %dma_wait3A_167 = arith.constant 0 : i32
      %dma_wait3A_168 = tpu.memref_slice %arg4[%add3A_50, %dma_wait3A_167] : memref<8192x512xf32, #tpu.memory_space<hbm>> -> memref<16x512xf32, #tpu.memory_space<hbm>>
      tpu.wait_dma2 semaphore(%run_scoped3A : memref<!tpu.dma_semaphore, #tpu.memory_space<semaphore_mem>>) src(%arg6 : memref<16x512xf32, #tpu.memory_space<vmem>>) dst(%dma_wait3A_168 : memref<16x512xf32, #tpu.memory_space<hbm>>)
      tpu.yield
    }) : () -> ()
    %add3A_51 = arith.constant 80 : i32
    %add3A_52 = arith.addi %mul3A_2, %add3A_51 : i32
    "tpu.region"() ({
      %run_scoped3A = tpu.sem_alloc : memref<!tpu.dma_semaphore, #tpu.memory_space<semaphore_mem>>
      %dma_start3A_161 = tpu.memref_slice %arg3[%add3A_52] : memref<8192xi32, #tpu.memory_space<hbm>> -> memref<16xi32, #tpu.memory_space<hbm>>
      %dma_start3A_162 = tpu.memref_slice %arg3[%add3A_52] : memref<8192xi32, #tpu.memory_space<hbm>> -> memref<16xi32, #tpu.memory_space<hbm>>
      tpu.enqueue_dma source(%dma_start3A_162 : memref<16xi32, #tpu.memory_space<hbm>>) target(%arg5 : memref<16xi32, #tpu.memory_space<vmem>>) target_semaphore(%run_scoped3A : memref<!tpu.dma_semaphore, #tpu.memory_space<semaphore_mem>>)
      %dma_wait3A_163 = tpu.memref_slice %arg3[%add3A_52] : memref<8192xi32, #tpu.memory_space<hbm>> -> memref<16xi32, #tpu.memory_space<hbm>>
      %dma_wait3A_164 = tpu.memref_slice %arg3[%add3A_52] : memref<8192xi32, #tpu.memory_space<hbm>> -> memref<16xi32, #tpu.memory_space<hbm>>
      tpu.wait_dma2 semaphore(%run_scoped3A : memref<!tpu.dma_semaphore, #tpu.memory_space<semaphore_mem>>) src(%dma_wait3A_164 : memref<16xi32, #tpu.memory_space<hbm>>) dst(%arg5 : memref<16xi32, #tpu.memory_space<vmem>>)
      tpu.yield
    }) : () -> ()
    %dma_start3A_53 = arith.constant 0 : i32
    %dma_start3A_54 = arith.constant 0 : i32
    %dma_start3A_55 = tpu.memref_slice %arg2[%dma_start3A_53, %dma_start3A_54] : memref<512x512xf32, #tpu.memory_space<hbm>> -> memref<512x512xf32, #tpu.memory_space<hbm>>
    tpu.enqueue_indirect_dma source(%dma_start3A_55 : memref<512x512xf32, #tpu.memory_space<hbm>>) target(%arg6 : memref<16x512xf32, #tpu.memory_space<vmem>>) offsets(%arg5 : memref<16xi32, #tpu.memory_space<vmem>>) semaphore(%arg7 : memref<!tpu.dma_semaphore, #tpu.memory_space<semaphore_mem>>)
    %dma_wait3A_56 = arith.constant 0 : i32
    %dma_wait3A_57 = arith.constant 0 : i32
    %dma_wait3A_58 = tpu.memref_slice %arg2[%dma_wait3A_56, %dma_wait3A_57] : memref<512x512xf32, #tpu.memory_space<hbm>> -> memref<512x512xf32, #tpu.memory_space<hbm>>
    tpu.wait_indirect_dma semaphore(%arg7 : memref<!tpu.dma_semaphore, #tpu.memory_space<semaphore_mem>>) src(%dma_wait3A_58 : memref<512x512xf32, #tpu.memory_space<hbm>>) dst(%arg6 : memref<16x512xf32, #tpu.memory_space<vmem>>)
    %add3A_59 = arith.constant 80 : i32
    %add3A_60 = arith.addi %mul3A_2, %add3A_59 : i32
    "tpu.region"() ({
      %run_scoped3A = tpu.sem_alloc : memref<!tpu.dma_semaphore, #tpu.memory_space<semaphore_mem>>
      %dma_start3A_161 = arith.constant 0 : i32
      %dma_start3A_162 = tpu.memref_slice %arg4[%add3A_60, %dma_start3A_161] : memref<8192x512xf32, #tpu.memory_space<hbm>> -> memref<16x512xf32, #tpu.memory_space<hbm>>
      %dma_start3A_163 = arith.constant 0 : i32
      %dma_start3A_164 = tpu.memref_slice %arg4[%add3A_60, %dma_start3A_163] : memref<8192x512xf32, #tpu.memory_space<hbm>> -> memref<16x512xf32, #tpu.memory_space<hbm>>
      tpu.enqueue_dma source(%arg6 : memref<16x512xf32, #tpu.memory_space<vmem>>) target(%dma_start3A_164 : memref<16x512xf32, #tpu.memory_space<hbm>>) target_semaphore(%run_scoped3A : memref<!tpu.dma_semaphore, #tpu.memory_space<semaphore_mem>>)
      %dma_wait3A_165 = arith.constant 0 : i32
      %dma_wait3A_166 = tpu.memref_slice %arg4[%add3A_60, %dma_wait3A_165] : memref<8192x512xf32, #tpu.memory_space<hbm>> -> memref<16x512xf32, #tpu.memory_space<hbm>>
      %dma_wait3A_167 = arith.constant 0 : i32
      %dma_wait3A_168 = tpu.memref_slice %arg4[%add3A_60, %dma_wait3A_167] : memref<8192x512xf32, #tpu.memory_space<hbm>> -> memref<16x512xf32, #tpu.memory_space<hbm>>
      tpu.wait_dma2 semaphore(%run_scoped3A : memref<!tpu.dma_semaphore, #tpu.memory_space<semaphore_mem>>) src(%arg6 : memref<16x512xf32, #tpu.memory_space<vmem>>) dst(%dma_wait3A_168 : memref<16x512xf32, #tpu.memory_space<hbm>>)
      tpu.yield
    }) : () -> ()
    %add3A_61 = arith.constant 96 : i32
    %add3A_62 = arith.addi %mul3A_2, %add3A_61 : i32
    "tpu.region"() ({
      %run_scoped3A = tpu.sem_alloc : memref<!tpu.dma_semaphore, #tpu.memory_space<semaphore_mem>>
      %dma_start3A_161 = tpu.memref_slice %arg3[%add3A_62] : memref<8192xi32, #tpu.memory_space<hbm>> -> memref<16xi32, #tpu.memory_space<hbm>>
      %dma_start3A_162 = tpu.memref_slice %arg3[%add3A_62] : memref<8192xi32, #tpu.memory_space<hbm>> -> memref<16xi32, #tpu.memory_space<hbm>>
      tpu.enqueue_dma source(%dma_start3A_162 : memref<16xi32, #tpu.memory_space<hbm>>) target(%arg5 : memref<16xi32, #tpu.memory_space<vmem>>) target_semaphore(%run_scoped3A : memref<!tpu.dma_semaphore, #tpu.memory_space<semaphore_mem>>)
      %dma_wait3A_163 = tpu.memref_slice %arg3[%add3A_62] : memref<8192xi32, #tpu.memory_space<hbm>> -> memref<16xi32, #tpu.memory_space<hbm>>
      %dma_wait3A_164 = tpu.memref_slice %arg3[%add3A_62] : memref<8192xi32, #tpu.memory_space<hbm>> -> memref<16xi32, #tpu.memory_space<hbm>>
      tpu.wait_dma2 semaphore(%run_scoped3A : memref<!tpu.dma_semaphore, #tpu.memory_space<semaphore_mem>>) src(%dma_wait3A_164 : memref<16xi32, #tpu.memory_space<hbm>>) dst(%arg5 : memref<16xi32, #tpu.memory_space<vmem>>)
      tpu.yield
    }) : () -> ()
    %dma_start3A_63 = arith.constant 0 : i32
    %dma_start3A_64 = arith.constant 0 : i32
    %dma_start3A_65 = tpu.memref_slice %arg2[%dma_start3A_63, %dma_start3A_64] : memref<512x512xf32, #tpu.memory_space<hbm>> -> memref<512x512xf32, #tpu.memory_space<hbm>>
    tpu.enqueue_indirect_dma source(%dma_start3A_65 : memref<512x512xf32, #tpu.memory_space<hbm>>) target(%arg6 : memref<16x512xf32, #tpu.memory_space<vmem>>) offsets(%arg5 : memref<16xi32, #tpu.memory_space<vmem>>) semaphore(%arg7 : memref<!tpu.dma_semaphore, #tpu.memory_space<semaphore_mem>>)
    %dma_wait3A_66 = arith.constant 0 : i32
    %dma_wait3A_67 = arith.constant 0 : i32
    %dma_wait3A_68 = tpu.memref_slice %arg2[%dma_wait3A_66, %dma_wait3A_67] : memref<512x512xf32, #tpu.memory_space<hbm>> -> memref<512x512xf32, #tpu.memory_space<hbm>>
    tpu.wait_indirect_dma semaphore(%arg7 : memref<!tpu.dma_semaphore, #tpu.memory_space<semaphore_mem>>) src(%dma_wait3A_68 : memref<512x512xf32, #tpu.memory_space<hbm>>) dst(%arg6 : memref<16x512xf32, #tpu.memory_space<vmem>>)
    %add3A_69 = arith.constant 96 : i32
    %add3A_70 = arith.addi %mul3A_2, %add3A_69 : i32
    "tpu.region"() ({
      %run_scoped3A = tpu.sem_alloc : memref<!tpu.dma_semaphore, #tpu.memory_space<semaphore_mem>>
      %dma_start3A_161 = arith.constant 0 : i32
      %dma_start3A_162 = tpu.memref_slice %arg4[%add3A_70, %dma_start3A_161] : memref<8192x512xf32, #tpu.memory_space<hbm>> -> memref<16x512xf32, #tpu.memory_space<hbm>>
      %dma_start3A_163 = arith.constant 0 : i32
      %dma_start3A_164 = tpu.memref_slice %arg4[%add3A_70, %dma_start3A_163] : memref<8192x512xf32, #tpu.memory_space<hbm>> -> memref<16x512xf32, #tpu.memory_space<hbm>>
      tpu.enqueue_dma source(%arg6 : memref<16x512xf32, #tpu.memory_space<vmem>>) target(%dma_start3A_164 : memref<16x512xf32, #tpu.memory_space<hbm>>) target_semaphore(%run_scoped3A : memref<!tpu.dma_semaphore, #tpu.memory_space<semaphore_mem>>)
      %dma_wait3A_165 = arith.constant 0 : i32
      %dma_wait3A_166 = tpu.memref_slice %arg4[%add3A_70, %dma_wait3A_165] : memref<8192x512xf32, #tpu.memory_space<hbm>> -> memref<16x512xf32, #tpu.memory_space<hbm>>
      %dma_wait3A_167 = arith.constant 0 : i32
      %dma_wait3A_168 = tpu.memref_slice %arg4[%add3A_70, %dma_wait3A_167] : memref<8192x512xf32, #tpu.memory_space<hbm>> -> memref<16x512xf32, #tpu.memory_space<hbm>>
      tpu.wait_dma2 semaphore(%run_scoped3A : memref<!tpu.dma_semaphore, #tpu.memory_space<semaphore_mem>>) src(%arg6 : memref<16x512xf32, #tpu.memory_space<vmem>>) dst(%dma_wait3A_168 : memref<16x512xf32, #tpu.memory_space<hbm>>)
      tpu.yield
    }) : () -> ()
    %add3A_71 = arith.constant 112 : i32
    %add3A_72 = arith.addi %mul3A_2, %add3A_71 : i32
    "tpu.region"() ({
      %run_scoped3A = tpu.sem_alloc : memref<!tpu.dma_semaphore, #tpu.memory_space<semaphore_mem>>
      %dma_start3A_161 = tpu.memref_slice %arg3[%add3A_72] : memref<8192xi32, #tpu.memory_space<hbm>> -> memref<16xi32, #tpu.memory_space<hbm>>
      %dma_start3A_162 = tpu.memref_slice %arg3[%add3A_72] : memref<8192xi32, #tpu.memory_space<hbm>> -> memref<16xi32, #tpu.memory_space<hbm>>
      tpu.enqueue_dma source(%dma_start3A_162 : memref<16xi32, #tpu.memory_space<hbm>>) target(%arg5 : memref<16xi32, #tpu.memory_space<vmem>>) target_semaphore(%run_scoped3A : memref<!tpu.dma_semaphore, #tpu.memory_space<semaphore_mem>>)
      %dma_wait3A_163 = tpu.memref_slice %arg3[%add3A_72] : memref<8192xi32, #tpu.memory_space<hbm>> -> memref<16xi32, #tpu.memory_space<hbm>>
      %dma_wait3A_164 = tpu.memref_slice %arg3[%add3A_72] : memref<8192xi32, #tpu.memory_space<hbm>> -> memref<16xi32, #tpu.memory_space<hbm>>
      tpu.wait_dma2 semaphore(%run_scoped3A : memref<!tpu.dma_semaphore, #tpu.memory_space<semaphore_mem>>) src(%dma_wait3A_164 : memref<16xi32, #tpu.memory_space<hbm>>) dst(%arg5 : memref<16xi32, #tpu.memory_space<vmem>>)
      tpu.yield
    }) : () -> ()
    %dma_start3A_73 = arith.constant 0 : i32
    %dma_start3A_74 = arith.constant 0 : i32
    %dma_start3A_75 = tpu.memref_slice %arg2[%dma_start3A_73, %dma_start3A_74] : memref<512x512xf32, #tpu.memory_space<hbm>> -> memref<512x512xf32, #tpu.memory_space<hbm>>
    tpu.enqueue_indirect_dma source(%dma_start3A_75 : memref<512x512xf32, #tpu.memory_space<hbm>>) target(%arg6 : memref<16x512xf32, #tpu.memory_space<vmem>>) offsets(%arg5 : memref<16xi32, #tpu.memory_space<vmem>>) semaphore(%arg7 : memref<!tpu.dma_semaphore, #tpu.memory_space<semaphore_mem>>)
    %dma_wait3A_76 = arith.constant 0 : i32
    %dma_wait3A_77 = arith.constant 0 : i32
    %dma_wait3A_78 = tpu.memref_slice %arg2[%dma_wait3A_76, %dma_wait3A_77] : memref<512x512xf32, #tpu.memory_space<hbm>> -> memref<512x512xf32, #tpu.memory_space<hbm>>
    tpu.wait_indirect_dma semaphore(%arg7 : memref<!tpu.dma_semaphore, #tpu.memory_space<semaphore_mem>>) src(%dma_wait3A_78 : memref<512x512xf32, #tpu.memory_space<hbm>>) dst(%arg6 : memref<16x512xf32, #tpu.memory_space<vmem>>)
    %add3A_79 = arith.constant 112 : i32
    %add3A_80 = arith.addi %mul3A_2, %add3A_79 : i32
    "tpu.region"() ({
      %run_scoped3A = tpu.sem_alloc : memref<!tpu.dma_semaphore, #tpu.memory_space<semaphore_mem>>
      %dma_start3A_161 = arith.constant 0 : i32
      %dma_start3A_162 = tpu.memref_slice %arg4[%add3A_80, %dma_start3A_161] : memref<8192x512xf32, #tpu.memory_space<hbm>> -> memref<16x512xf32, #tpu.memory_space<hbm>>
      %dma_start3A_163 = arith.constant 0 : i32
      %dma_start3A_164 = tpu.memref_slice %arg4[%add3A_80, %dma_start3A_163] : memref<8192x512xf32, #tpu.memory_space<hbm>> -> memref<16x512xf32, #tpu.memory_space<hbm>>
      tpu.enqueue_dma source(%arg6 : memref<16x512xf32, #tpu.memory_space<vmem>>) target(%dma_start3A_164 : memref<16x512xf32, #tpu.memory_space<hbm>>) target_semaphore(%run_scoped3A : memref<!tpu.dma_semaphore, #tpu.memory_space<semaphore_mem>>)
      %dma_wait3A_165 = arith.constant 0 : i32
      %dma_wait3A_166 = tpu.memref_slice %arg4[%add3A_80, %dma_wait3A_165] : memref<8192x512xf32, #tpu.memory_space<hbm>> -> memref<16x512xf32, #tpu.memory_space<hbm>>
      %dma_wait3A_167 = arith.constant 0 : i32
      %dma_wait3A_168 = tpu.memref_slice %arg4[%add3A_80, %dma_wait3A_167] : memref<8192x512xf32, #tpu.memory_space<hbm>> -> memref<16x512xf32, #tpu.memory_space<hbm>>
      tpu.wait_dma2 semaphore(%run_scoped3A : memref<!tpu.dma_semaphore, #tpu.memory_space<semaphore_mem>>) src(%arg6 : memref<16x512xf32, #tpu.memory_space<vmem>>) dst(%dma_wait3A_168 : memref<16x512xf32, #tpu.memory_space<hbm>>)
      tpu.yield
    }) : () -> ()
    %add3A_81 = arith.constant 128 : i32
    %add3A_82 = arith.addi %mul3A_2, %add3A_81 : i32
    "tpu.region"() ({
      %run_scoped3A = tpu.sem_alloc : memref<!tpu.dma_semaphore, #tpu.memory_space<semaphore_mem>>
      %dma_start3A_161 = tpu.memref_slice %arg3[%add3A_82] : memref<8192xi32, #tpu.memory_space<hbm>> -> memref<16xi32, #tpu.memory_space<hbm>>
      %dma_start3A_162 = tpu.memref_slice %arg3[%add3A_82] : memref<8192xi32, #tpu.memory_space<hbm>> -> memref<16xi32, #tpu.memory_space<hbm>>
      tpu.enqueue_dma source(%dma_start3A_162 : memref<16xi32, #tpu.memory_space<hbm>>) target(%arg5 : memref<16xi32, #tpu.memory_space<vmem>>) target_semaphore(%run_scoped3A : memref<!tpu.dma_semaphore, #tpu.memory_space<semaphore_mem>>)
      %dma_wait3A_163 = tpu.memref_slice %arg3[%add3A_82] : memref<8192xi32, #tpu.memory_space<hbm>> -> memref<16xi32, #tpu.memory_space<hbm>>
      %dma_wait3A_164 = tpu.memref_slice %arg3[%add3A_82] : memref<8192xi32, #tpu.memory_space<hbm>> -> memref<16xi32, #tpu.memory_space<hbm>>
      tpu.wait_dma2 semaphore(%run_scoped3A : memref<!tpu.dma_semaphore, #tpu.memory_space<semaphore_mem>>) src(%dma_wait3A_164 : memref<16xi32, #tpu.memory_space<hbm>>) dst(%arg5 : memref<16xi32, #tpu.memory_space<vmem>>)
      tpu.yield
    }) : () -> ()
    %dma_start3A_83 = arith.constant 0 : i32
    %dma_start3A_84 = arith.constant 0 : i32
    %dma_start3A_85 = tpu.memref_slice %arg2[%dma_start3A_83, %dma_start3A_84] : memref<512x512xf32, #tpu.memory_space<hbm>> -> memref<512x512xf32, #tpu.memory_space<hbm>>
    tpu.enqueue_indirect_dma source(%dma_start3A_85 : memref<512x512xf32, #tpu.memory_space<hbm>>) target(%arg6 : memref<16x512xf32, #tpu.memory_space<vmem>>) offsets(%arg5 : memref<16xi32, #tpu.memory_space<vmem>>) semaphore(%arg7 : memref<!tpu.dma_semaphore, #tpu.memory_space<semaphore_mem>>)
    %dma_wait3A_86 = arith.constant 0 : i32
    %dma_wait3A_87 = arith.constant 0 : i32
    %dma_wait3A_88 = tpu.memref_slice %arg2[%dma_wait3A_86, %dma_wait3A_87] : memref<512x512xf32, #tpu.memory_space<hbm>> -> memref<512x512xf32, #tpu.memory_space<hbm>>
    tpu.wait_indirect_dma semaphore(%arg7 : memref<!tpu.dma_semaphore, #tpu.memory_space<semaphore_mem>>) src(%dma_wait3A_88 : memref<512x512xf32, #tpu.memory_space<hbm>>) dst(%arg6 : memref<16x512xf32, #tpu.memory_space<vmem>>)
    %add3A_89 = arith.constant 128 : i32
    %add3A_90 = arith.addi %mul3A_2, %add3A_89 : i32
    "tpu.region"() ({
      %run_scoped3A = tpu.sem_alloc : memref<!tpu.dma_semaphore, #tpu.memory_space<semaphore_mem>>
      %dma_start3A_161 = arith.constant 0 : i32
      %dma_start3A_162 = tpu.memref_slice %arg4[%add3A_90, %dma_start3A_161] : memref<8192x512xf32, #tpu.memory_space<hbm>> -> memref<16x512xf32, #tpu.memory_space<hbm>>
      %dma_start3A_163 = arith.constant 0 : i32
      %dma_start3A_164 = tpu.memref_slice %arg4[%add3A_90, %dma_start3A_163] : memref<8192x512xf32, #tpu.memory_space<hbm>> -> memref<16x512xf32, #tpu.memory_space<hbm>>
      tpu.enqueue_dma source(%arg6 : memref<16x512xf32, #tpu.memory_space<vmem>>) target(%dma_start3A_164 : memref<16x512xf32, #tpu.memory_space<hbm>>) target_semaphore(%run_scoped3A : memref<!tpu.dma_semaphore, #tpu.memory_space<semaphore_mem>>)
      %dma_wait3A_165 = arith.constant 0 : i32
      %dma_wait3A_166 = tpu.memref_slice %arg4[%add3A_90, %dma_wait3A_165] : memref<8192x512xf32, #tpu.memory_space<hbm>> -> memref<16x512xf32, #tpu.memory_space<hbm>>
      %dma_wait3A_167 = arith.constant 0 : i32
      %dma_wait3A_168 = tpu.memref_slice %arg4[%add3A_90, %dma_wait3A_167] : memref<8192x512xf32, #tpu.memory_space<hbm>> -> memref<16x512xf32, #tpu.memory_space<hbm>>
      tpu.wait_dma2 semaphore(%run_scoped3A : memref<!tpu.dma_semaphore, #tpu.memory_space<semaphore_mem>>) src(%arg6 : memref<16x512xf32, #tpu.memory_space<vmem>>) dst(%dma_wait3A_168 : memref<16x512xf32, #tpu.memory_space<hbm>>)
      tpu.yield
    }) : () -> ()
    %add3A_91 = arith.constant 144 : i32
    %add3A_92 = arith.addi %mul3A_2, %add3A_91 : i32
    "tpu.region"() ({
      %run_scoped3A = tpu.sem_alloc : memref<!tpu.dma_semaphore, #tpu.memory_space<semaphore_mem>>
      %dma_start3A_161 = tpu.memref_slice %arg3[%add3A_92] : memref<8192xi32, #tpu.memory_space<hbm>> -> memref<16xi32, #tpu.memory_space<hbm>>
      %dma_start3A_162 = tpu.memref_slice %arg3[%add3A_92] : memref<8192xi32, #tpu.memory_space<hbm>> -> memref<16xi32, #tpu.memory_space<hbm>>
      tpu.enqueue_dma source(%dma_start3A_162 : memref<16xi32, #tpu.memory_space<hbm>>) target(%arg5 : memref<16xi32, #tpu.memory_space<vmem>>) target_semaphore(%run_scoped3A : memref<!tpu.dma_semaphore, #tpu.memory_space<semaphore_mem>>)
      %dma_wait3A_163 = tpu.memref_slice %arg3[%add3A_92] : memref<8192xi32, #tpu.memory_space<hbm>> -> memref<16xi32, #tpu.memory_space<hbm>>
      %dma_wait3A_164 = tpu.memref_slice %arg3[%add3A_92] : memref<8192xi32, #tpu.memory_space<hbm>> -> memref<16xi32, #tpu.memory_space<hbm>>
      tpu.wait_dma2 semaphore(%run_scoped3A : memref<!tpu.dma_semaphore, #tpu.memory_space<semaphore_mem>>) src(%dma_wait3A_164 : memref<16xi32, #tpu.memory_space<hbm>>) dst(%arg5 : memref<16xi32, #tpu.memory_space<vmem>>)
      tpu.yield
    }) : () -> ()
    %dma_start3A_93 = arith.constant 0 : i32
    %dma_start3A_94 = arith.constant 0 : i32
    %dma_start3A_95 = tpu.memref_slice %arg2[%dma_start3A_93, %dma_start3A_94] : memref<512x512xf32, #tpu.memory_space<hbm>> -> memref<512x512xf32, #tpu.memory_space<hbm>>
    tpu.enqueue_indirect_dma source(%dma_start3A_95 : memref<512x512xf32, #tpu.memory_space<hbm>>) target(%arg6 : memref<16x512xf32, #tpu.memory_space<vmem>>) offsets(%arg5 : memref<16xi32, #tpu.memory_space<vmem>>) semaphore(%arg7 : memref<!tpu.dma_semaphore, #tpu.memory_space<semaphore_mem>>)
    %dma_wait3A_96 = arith.constant 0 : i32
    %dma_wait3A_97 = arith.constant 0 : i32
    %dma_wait3A_98 = tpu.memref_slice %arg2[%dma_wait3A_96, %dma_wait3A_97] : memref<512x512xf32, #tpu.memory_space<hbm>> -> memref<512x512xf32, #tpu.memory_space<hbm>>
    tpu.wait_indirect_dma semaphore(%arg7 : memref<!tpu.dma_semaphore, #tpu.memory_space<semaphore_mem>>) src(%dma_wait3A_98 : memref<512x512xf32, #tpu.memory_space<hbm>>) dst(%arg6 : memref<16x512xf32, #tpu.memory_space<vmem>>)
    %add3A_99 = arith.constant 144 : i32
    %add3A_100 = arith.addi %mul3A_2, %add3A_99 : i32
    "tpu.region"() ({
      %run_scoped3A = tpu.sem_alloc : memref<!tpu.dma_semaphore, #tpu.memory_space<semaphore_mem>>
      %dma_start3A_161 = arith.constant 0 : i32
      %dma_start3A_162 = tpu.memref_slice %arg4[%add3A_100, %dma_start3A_161] : memref<8192x512xf32, #tpu.memory_space<hbm>> -> memref<16x512xf32, #tpu.memory_space<hbm>>
      %dma_start3A_163 = arith.constant 0 : i32
      %dma_start3A_164 = tpu.memref_slice %arg4[%add3A_100, %dma_start3A_163] : memref<8192x512xf32, #tpu.memory_space<hbm>> -> memref<16x512xf32, #tpu.memory_space<hbm>>
      tpu.enqueue_dma source(%arg6 : memref<16x512xf32, #tpu.memory_space<vmem>>) target(%dma_start3A_164 : memref<16x512xf32, #tpu.memory_space<hbm>>) target_semaphore(%run_scoped3A : memref<!tpu.dma_semaphore, #tpu.memory_space<semaphore_mem>>)
      %dma_wait3A_165 = arith.constant 0 : i32
      %dma_wait3A_166 = tpu.memref_slice %arg4[%add3A_100, %dma_wait3A_165] : memref<8192x512xf32, #tpu.memory_space<hbm>> -> memref<16x512xf32, #tpu.memory_space<hbm>>
      %dma_wait3A_167 = arith.constant 0 : i32
      %dma_wait3A_168 = tpu.memref_slice %arg4[%add3A_100, %dma_wait3A_167] : memref<8192x512xf32, #tpu.memory_space<hbm>> -> memref<16x512xf32, #tpu.memory_space<hbm>>
      tpu.wait_dma2 semaphore(%run_scoped3A : memref<!tpu.dma_semaphore, #tpu.memory_space<semaphore_mem>>) src(%arg6 : memref<16x512xf32, #tpu.memory_space<vmem>>) dst(%dma_wait3A_168 : memref<16x512xf32, #tpu.memory_space<hbm>>)
      tpu.yield
    }) : () -> ()
    %add3A_101 = arith.constant 160 : i32
    %add3A_102 = arith.addi %mul3A_2, %add3A_101 : i32
    "tpu.region"() ({
      %run_scoped3A = tpu.sem_alloc : memref<!tpu.dma_semaphore, #tpu.memory_space<semaphore_mem>>
      %dma_start3A_161 = tpu.memref_slice %arg3[%add3A_102] : memref<8192xi32, #tpu.memory_space<hbm>> -> memref<16xi32, #tpu.memory_space<hbm>>
      %dma_start3A_162 = tpu.memref_slice %arg3[%add3A_102] : memref<8192xi32, #tpu.memory_space<hbm>> -> memref<16xi32, #tpu.memory_space<hbm>>
      tpu.enqueue_dma source(%dma_start3A_162 : memref<16xi32, #tpu.memory_space<hbm>>) target(%arg5 : memref<16xi32, #tpu.memory_space<vmem>>) target_semaphore(%run_scoped3A : memref<!tpu.dma_semaphore, #tpu.memory_space<semaphore_mem>>)
      %dma_wait3A_163 = tpu.memref_slice %arg3[%add3A_102] : memref<8192xi32, #tpu.memory_space<hbm>> -> memref<16xi32, #tpu.memory_space<hbm>>
      %dma_wait3A_164 = tpu.memref_slice %arg3[%add3A_102] : memref<8192xi32, #tpu.memory_space<hbm>> -> memref<16xi32, #tpu.memory_space<hbm>>
      tpu.wait_dma2 semaphore(%run_scoped3A : memref<!tpu.dma_semaphore, #tpu.memory_space<semaphore_mem>>) src(%dma_wait3A_164 : memref<16xi32, #tpu.memory_space<hbm>>) dst(%arg5 : memref<16xi32, #tpu.memory_space<vmem>>)
      tpu.yield
    }) : () -> ()
    %dma_start3A_103 = arith.constant 0 : i32
    %dma_start3A_104 = arith.constant 0 : i32
    %dma_start3A_105 = tpu.memref_slice %arg2[%dma_start3A_103, %dma_start3A_104] : memref<512x512xf32, #tpu.memory_space<hbm>> -> memref<512x512xf32, #tpu.memory_space<hbm>>
    tpu.enqueue_indirect_dma source(%dma_start3A_105 : memref<512x512xf32, #tpu.memory_space<hbm>>) target(%arg6 : memref<16x512xf32, #tpu.memory_space<vmem>>) offsets(%arg5 : memref<16xi32, #tpu.memory_space<vmem>>) semaphore(%arg7 : memref<!tpu.dma_semaphore, #tpu.memory_space<semaphore_mem>>)
    %dma_wait3A_106 = arith.constant 0 : i32
    %dma_wait3A_107 = arith.constant 0 : i32
    %dma_wait3A_108 = tpu.memref_slice %arg2[%dma_wait3A_106, %dma_wait3A_107] : memref<512x512xf32, #tpu.memory_space<hbm>> -> memref<512x512xf32, #tpu.memory_space<hbm>>
    tpu.wait_indirect_dma semaphore(%arg7 : memref<!tpu.dma_semaphore, #tpu.memory_space<semaphore_mem>>) src(%dma_wait3A_108 : memref<512x512xf32, #tpu.memory_space<hbm>>) dst(%arg6 : memref<16x512xf32, #tpu.memory_space<vmem>>)
    %add3A_109 = arith.constant 160 : i32
    %add3A_110 = arith.addi %mul3A_2, %add3A_109 : i32
    "tpu.region"() ({
      %run_scoped3A = tpu.sem_alloc : memref<!tpu.dma_semaphore, #tpu.memory_space<semaphore_mem>>
      %dma_start3A_161 = arith.constant 0 : i32
      %dma_start3A_162 = tpu.memref_slice %arg4[%add3A_110, %dma_start3A_161] : memref<8192x512xf32, #tpu.memory_space<hbm>> -> memref<16x512xf32, #tpu.memory_space<hbm>>
      %dma_start3A_163 = arith.constant 0 : i32
      %dma_start3A_164 = tpu.memref_slice %arg4[%add3A_110, %dma_start3A_163] : memref<8192x512xf32, #tpu.memory_space<hbm>> -> memref<16x512xf32, #tpu.memory_space<hbm>>
      tpu.enqueue_dma source(%arg6 : memref<16x512xf32, #tpu.memory_space<vmem>>) target(%dma_start3A_164 : memref<16x512xf32, #tpu.memory_space<hbm>>) target_semaphore(%run_scoped3A : memref<!tpu.dma_semaphore, #tpu.memory_space<semaphore_mem>>)
      %dma_wait3A_165 = arith.constant 0 : i32
      %dma_wait3A_166 = tpu.memref_slice %arg4[%add3A_110, %dma_wait3A_165] : memref<8192x512xf32, #tpu.memory_space<hbm>> -> memref<16x512xf32, #tpu.memory_space<hbm>>
      %dma_wait3A_167 = arith.constant 0 : i32
      %dma_wait3A_168 = tpu.memref_slice %arg4[%add3A_110, %dma_wait3A_167] : memref<8192x512xf32, #tpu.memory_space<hbm>> -> memref<16x512xf32, #tpu.memory_space<hbm>>
      tpu.wait_dma2 semaphore(%run_scoped3A : memref<!tpu.dma_semaphore, #tpu.memory_space<semaphore_mem>>) src(%arg6 : memref<16x512xf32, #tpu.memory_space<vmem>>) dst(%dma_wait3A_168 : memref<16x512xf32, #tpu.memory_space<hbm>>)
      tpu.yield
    }) : () -> ()
    %add3A_111 = arith.constant 176 : i32
    %add3A_112 = arith.addi %mul3A_2, %add3A_111 : i32
    "tpu.region"() ({
      %run_scoped3A = tpu.sem_alloc : memref<!tpu.dma_semaphore, #tpu.memory_space<semaphore_mem>>
      %dma_start3A_161 = tpu.memref_slice %arg3[%add3A_112] : memref<8192xi32, #tpu.memory_space<hbm>> -> memref<16xi32, #tpu.memory_space<hbm>>
      %dma_start3A_162 = tpu.memref_slice %arg3[%add3A_112] : memref<8192xi32, #tpu.memory_space<hbm>> -> memref<16xi32, #tpu.memory_space<hbm>>
      tpu.enqueue_dma source(%dma_start3A_162 : memref<16xi32, #tpu.memory_space<hbm>>) target(%arg5 : memref<16xi32, #tpu.memory_space<vmem>>) target_semaphore(%run_scoped3A : memref<!tpu.dma_semaphore, #tpu.memory_space<semaphore_mem>>)
      %dma_wait3A_163 = tpu.memref_slice %arg3[%add3A_112] : memref<8192xi32, #tpu.memory_space<hbm>> -> memref<16xi32, #tpu.memory_space<hbm>>
      %dma_wait3A_164 = tpu.memref_slice %arg3[%add3A_112] : memref<8192xi32, #tpu.memory_space<hbm>> -> memref<16xi32, #tpu.memory_space<hbm>>
      tpu.wait_dma2 semaphore(%run_scoped3A : memref<!tpu.dma_semaphore, #tpu.memory_space<semaphore_mem>>) src(%dma_wait3A_164 : memref<16xi32, #tpu.memory_space<hbm>>) dst(%arg5 : memref<16xi32, #tpu.memory_space<vmem>>)
      tpu.yield
    }) : () -> ()
    %dma_start3A_113 = arith.constant 0 : i32
    %dma_start3A_114 = arith.constant 0 : i32
    %dma_start3A_115 = tpu.memref_slice %arg2[%dma_start3A_113, %dma_start3A_114] : memref<512x512xf32, #tpu.memory_space<hbm>> -> memref<512x512xf32, #tpu.memory_space<hbm>>
    tpu.enqueue_indirect_dma source(%dma_start3A_115 : memref<512x512xf32, #tpu.memory_space<hbm>>) target(%arg6 : memref<16x512xf32, #tpu.memory_space<vmem>>) offsets(%arg5 : memref<16xi32, #tpu.memory_space<vmem>>) semaphore(%arg7 : memref<!tpu.dma_semaphore, #tpu.memory_space<semaphore_mem>>)
    %dma_wait3A_116 = arith.constant 0 : i32
    %dma_wait3A_117 = arith.constant 0 : i32
    %dma_wait3A_118 = tpu.memref_slice %arg2[%dma_wait3A_116, %dma_wait3A_117] : memref<512x512xf32, #tpu.memory_space<hbm>> -> memref<512x512xf32, #tpu.memory_space<hbm>>
    tpu.wait_indirect_dma semaphore(%arg7 : memref<!tpu.dma_semaphore, #tpu.memory_space<semaphore_mem>>) src(%dma_wait3A_118 : memref<512x512xf32, #tpu.memory_space<hbm>>) dst(%arg6 : memref<16x512xf32, #tpu.memory_space<vmem>>)
    %add3A_119 = arith.constant 176 : i32
    %add3A_120 = arith.addi %mul3A_2, %add3A_119 : i32
    "tpu.region"() ({
      %run_scoped3A = tpu.sem_alloc : memref<!tpu.dma_semaphore, #tpu.memory_space<semaphore_mem>>
      %dma_start3A_161 = arith.constant 0 : i32
      %dma_start3A_162 = tpu.memref_slice %arg4[%add3A_120, %dma_start3A_161] : memref<8192x512xf32, #tpu.memory_space<hbm>> -> memref<16x512xf32, #tpu.memory_space<hbm>>
      %dma_start3A_163 = arith.constant 0 : i32
      %dma_start3A_164 = tpu.memref_slice %arg4[%add3A_120, %dma_start3A_163] : memref<8192x512xf32, #tpu.memory_space<hbm>> -> memref<16x512xf32, #tpu.memory_space<hbm>>
      tpu.enqueue_dma source(%arg6 : memref<16x512xf32, #tpu.memory_space<vmem>>) target(%dma_start3A_164 : memref<16x512xf32, #tpu.memory_space<hbm>>) target_semaphore(%run_scoped3A : memref<!tpu.dma_semaphore, #tpu.memory_space<semaphore_mem>>)
      %dma_wait3A_165 = arith.constant 0 : i32
      %dma_wait3A_166 = tpu.memref_slice %arg4[%add3A_120, %dma_wait3A_165] : memref<8192x512xf32, #tpu.memory_space<hbm>> -> memref<16x512xf32, #tpu.memory_space<hbm>>
      %dma_wait3A_167 = arith.constant 0 : i32
      %dma_wait3A_168 = tpu.memref_slice %arg4[%add3A_120, %dma_wait3A_167] : memref<8192x512xf32, #tpu.memory_space<hbm>> -> memref<16x512xf32, #tpu.memory_space<hbm>>
      tpu.wait_dma2 semaphore(%run_scoped3A : memref<!tpu.dma_semaphore, #tpu.memory_space<semaphore_mem>>) src(%arg6 : memref<16x512xf32, #tpu.memory_space<vmem>>) dst(%dma_wait3A_168 : memref<16x512xf32, #tpu.memory_space<hbm>>)
      tpu.yield
    }) : () -> ()
    %add3A_121 = arith.constant 192 : i32
    %add3A_122 = arith.addi %mul3A_2, %add3A_121 : i32
    "tpu.region"() ({
      %run_scoped3A = tpu.sem_alloc : memref<!tpu.dma_semaphore, #tpu.memory_space<semaphore_mem>>
      %dma_start3A_161 = tpu.memref_slice %arg3[%add3A_122] : memref<8192xi32, #tpu.memory_space<hbm>> -> memref<16xi32, #tpu.memory_space<hbm>>
      %dma_start3A_162 = tpu.memref_slice %arg3[%add3A_122] : memref<8192xi32, #tpu.memory_space<hbm>> -> memref<16xi32, #tpu.memory_space<hbm>>
      tpu.enqueue_dma source(%dma_start3A_162 : memref<16xi32, #tpu.memory_space<hbm>>) target(%arg5 : memref<16xi32, #tpu.memory_space<vmem>>) target_semaphore(%run_scoped3A : memref<!tpu.dma_semaphore, #tpu.memory_space<semaphore_mem>>)
      %dma_wait3A_163 = tpu.memref_slice %arg3[%add3A_122] : memref<8192xi32, #tpu.memory_space<hbm>> -> memref<16xi32, #tpu.memory_space<hbm>>
      %dma_wait3A_164 = tpu.memref_slice %arg3[%add3A_122] : memref<8192xi32, #tpu.memory_space<hbm>> -> memref<16xi32, #tpu.memory_space<hbm>>
      tpu.wait_dma2 semaphore(%run_scoped3A : memref<!tpu.dma_semaphore, #tpu.memory_space<semaphore_mem>>) src(%dma_wait3A_164 : memref<16xi32, #tpu.memory_space<hbm>>) dst(%arg5 : memref<16xi32, #tpu.memory_space<vmem>>)
      tpu.yield
    }) : () -> ()
    %dma_start3A_123 = arith.constant 0 : i32
    %dma_start3A_124 = arith.constant 0 : i32
    %dma_start3A_125 = tpu.memref_slice %arg2[%dma_start3A_123, %dma_start3A_124] : memref<512x512xf32, #tpu.memory_space<hbm>> -> memref<512x512xf32, #tpu.memory_space<hbm>>
    tpu.enqueue_indirect_dma source(%dma_start3A_125 : memref<512x512xf32, #tpu.memory_space<hbm>>) target(%arg6 : memref<16x512xf32, #tpu.memory_space<vmem>>) offsets(%arg5 : memref<16xi32, #tpu.memory_space<vmem>>) semaphore(%arg7 : memref<!tpu.dma_semaphore, #tpu.memory_space<semaphore_mem>>)
    %dma_wait3A_126 = arith.constant 0 : i32
    %dma_wait3A_127 = arith.constant 0 : i32
    %dma_wait3A_128 = tpu.memref_slice %arg2[%dma_wait3A_126, %dma_wait3A_127] : memref<512x512xf32, #tpu.memory_space<hbm>> -> memref<512x512xf32, #tpu.memory_space<hbm>>
    tpu.wait_indirect_dma semaphore(%arg7 : memref<!tpu.dma_semaphore, #tpu.memory_space<semaphore_mem>>) src(%dma_wait3A_128 : memref<512x512xf32, #tpu.memory_space<hbm>>) dst(%arg6 : memref<16x512xf32, #tpu.memory_space<vmem>>)
    %add3A_129 = arith.constant 192 : i32
    %add3A_130 = arith.addi %mul3A_2, %add3A_129 : i32
    "tpu.region"() ({
      %run_scoped3A = tpu.sem_alloc : memref<!tpu.dma_semaphore, #tpu.memory_space<semaphore_mem>>
      %dma_start3A_161 = arith.constant 0 : i32
      %dma_start3A_162 = tpu.memref_slice %arg4[%add3A_130, %dma_start3A_161] : memref<8192x512xf32, #tpu.memory_space<hbm>> -> memref<16x512xf32, #tpu.memory_space<hbm>>
      %dma_start3A_163 = arith.constant 0 : i32
      %dma_start3A_164 = tpu.memref_slice %arg4[%add3A_130, %dma_start3A_163] : memref<8192x512xf32, #tpu.memory_space<hbm>> -> memref<16x512xf32, #tpu.memory_space<hbm>>
      tpu.enqueue_dma source(%arg6 : memref<16x512xf32, #tpu.memory_space<vmem>>) target(%dma_start3A_164 : memref<16x512xf32, #tpu.memory_space<hbm>>) target_semaphore(%run_scoped3A : memref<!tpu.dma_semaphore, #tpu.memory_space<semaphore_mem>>)
      %dma_wait3A_165 = arith.constant 0 : i32
      %dma_wait3A_166 = tpu.memref_slice %arg4[%add3A_130, %dma_wait3A_165] : memref<8192x512xf32, #tpu.memory_space<hbm>> -> memref<16x512xf32, #tpu.memory_space<hbm>>
      %dma_wait3A_167 = arith.constant 0 : i32
      %dma_wait3A_168 = tpu.memref_slice %arg4[%add3A_130, %dma_wait3A_167] : memref<8192x512xf32, #tpu.memory_space<hbm>> -> memref<16x512xf32, #tpu.memory_space<hbm>>
      tpu.wait_dma2 semaphore(%run_scoped3A : memref<!tpu.dma_semaphore, #tpu.memory_space<semaphore_mem>>) src(%arg6 : memref<16x512xf32, #tpu.memory_space<vmem>>) dst(%dma_wait3A_168 : memref<16x512xf32, #tpu.memory_space<hbm>>)
      tpu.yield
    }) : () -> ()
    %add3A_131 = arith.constant 208 : i32
    %add3A_132 = arith.addi %mul3A_2, %add3A_131 : i32
    "tpu.region"() ({
      %run_scoped3A = tpu.sem_alloc : memref<!tpu.dma_semaphore, #tpu.memory_space<semaphore_mem>>
      %dma_start3A_161 = tpu.memref_slice %arg3[%add3A_132] : memref<8192xi32, #tpu.memory_space<hbm>> -> memref<16xi32, #tpu.memory_space<hbm>>
      %dma_start3A_162 = tpu.memref_slice %arg3[%add3A_132] : memref<8192xi32, #tpu.memory_space<hbm>> -> memref<16xi32, #tpu.memory_space<hbm>>
      tpu.enqueue_dma source(%dma_start3A_162 : memref<16xi32, #tpu.memory_space<hbm>>) target(%arg5 : memref<16xi32, #tpu.memory_space<vmem>>) target_semaphore(%run_scoped3A : memref<!tpu.dma_semaphore, #tpu.memory_space<semaphore_mem>>)
      %dma_wait3A_163 = tpu.memref_slice %arg3[%add3A_132] : memref<8192xi32, #tpu.memory_space<hbm>> -> memref<16xi32, #tpu.memory_space<hbm>>
      %dma_wait3A_164 = tpu.memref_slice %arg3[%add3A_132] : memref<8192xi32, #tpu.memory_space<hbm>> -> memref<16xi32, #tpu.memory_space<hbm>>
      tpu.wait_dma2 semaphore(%run_scoped3A : memref<!tpu.dma_semaphore, #tpu.memory_space<semaphore_mem>>) src(%dma_wait3A_164 : memref<16xi32, #tpu.memory_space<hbm>>) dst(%arg5 : memref<16xi32, #tpu.memory_space<vmem>>)
      tpu.yield
    }) : () -> ()
    %dma_start3A_133 = arith.constant 0 : i32
    %dma_start3A_134 = arith.constant 0 : i32
    %dma_start3A_135 = tpu.memref_slice %arg2[%dma_start3A_133, %dma_start3A_134] : memref<512x512xf32, #tpu.memory_space<hbm>> -> memref<512x512xf32, #tpu.memory_space<hbm>>
    tpu.enqueue_indirect_dma source(%dma_start3A_135 : memref<512x512xf32, #tpu.memory_space<hbm>>) target(%arg6 : memref<16x512xf32, #tpu.memory_space<vmem>>) offsets(%arg5 : memref<16xi32, #tpu.memory_space<vmem>>) semaphore(%arg7 : memref<!tpu.dma_semaphore, #tpu.memory_space<semaphore_mem>>)
    %dma_wait3A_136 = arith.constant 0 : i32
    %dma_wait3A_137 = arith.constant 0 : i32
    %dma_wait3A_138 = tpu.memref_slice %arg2[%dma_wait3A_136, %dma_wait3A_137] : memref<512x512xf32, #tpu.memory_space<hbm>> -> memref<512x512xf32, #tpu.memory_space<hbm>>
    tpu.wait_indirect_dma semaphore(%arg7 : memref<!tpu.dma_semaphore, #tpu.memory_space<semaphore_mem>>) src(%dma_wait3A_138 : memref<512x512xf32, #tpu.memory_space<hbm>>) dst(%arg6 : memref<16x512xf32, #tpu.memory_space<vmem>>)
    %add3A_139 = arith.constant 208 : i32
    %add3A_140 = arith.addi %mul3A_2, %add3A_139 : i32
    "tpu.region"() ({
      %run_scoped3A = tpu.sem_alloc : memref<!tpu.dma_semaphore, #tpu.memory_space<semaphore_mem>>
      %dma_start3A_161 = arith.constant 0 : i32
      %dma_start3A_162 = tpu.memref_slice %arg4[%add3A_140, %dma_start3A_161] : memref<8192x512xf32, #tpu.memory_space<hbm>> -> memref<16x512xf32, #tpu.memory_space<hbm>>
      %dma_start3A_163 = arith.constant 0 : i32
      %dma_start3A_164 = tpu.memref_slice %arg4[%add3A_140, %dma_start3A_163] : memref<8192x512xf32, #tpu.memory_space<hbm>> -> memref<16x512xf32, #tpu.memory_space<hbm>>
      tpu.enqueue_dma source(%arg6 : memref<16x512xf32, #tpu.memory_space<vmem>>) target(%dma_start3A_164 : memref<16x512xf32, #tpu.memory_space<hbm>>) target_semaphore(%run_scoped3A : memref<!tpu.dma_semaphore, #tpu.memory_space<semaphore_mem>>)
      %dma_wait3A_165 = arith.constant 0 : i32
      %dma_wait3A_166 = tpu.memref_slice %arg4[%add3A_140, %dma_wait3A_165] : memref<8192x512xf32, #tpu.memory_space<hbm>> -> memref<16x512xf32, #tpu.memory_space<hbm>>
      %dma_wait3A_167 = arith.constant 0 : i32
      %dma_wait3A_168 = tpu.memref_slice %arg4[%add3A_140, %dma_wait3A_167] : memref<8192x512xf32, #tpu.memory_space<hbm>> -> memref<16x512xf32, #tpu.memory_space<hbm>>
      tpu.wait_dma2 semaphore(%run_scoped3A : memref<!tpu.dma_semaphore, #tpu.memory_space<semaphore_mem>>) src(%arg6 : memref<16x512xf32, #tpu.memory_space<vmem>>) dst(%dma_wait3A_168 : memref<16x512xf32, #tpu.memory_space<hbm>>)
      tpu.yield
    }) : () -> ()
    %add3A_141 = arith.constant 224 : i32
    %add3A_142 = arith.addi %mul3A_2, %add3A_141 : i32
    "tpu.region"() ({
      %run_scoped3A = tpu.sem_alloc : memref<!tpu.dma_semaphore, #tpu.memory_space<semaphore_mem>>
      %dma_start3A_161 = tpu.memref_slice %arg3[%add3A_142] : memref<8192xi32, #tpu.memory_space<hbm>> -> memref<16xi32, #tpu.memory_space<hbm>>
      %dma_start3A_162 = tpu.memref_slice %arg3[%add3A_142] : memref<8192xi32, #tpu.memory_space<hbm>> -> memref<16xi32, #tpu.memory_space<hbm>>
      tpu.enqueue_dma source(%dma_start3A_162 : memref<16xi32, #tpu.memory_space<hbm>>) target(%arg5 : memref<16xi32, #tpu.memory_space<vmem>>) target_semaphore(%run_scoped3A : memref<!tpu.dma_semaphore, #tpu.memory_space<semaphore_mem>>)
      %dma_wait3A_163 = tpu.memref_slice %arg3[%add3A_142] : memref<8192xi32, #tpu.memory_space<hbm>> -> memref<16xi32, #tpu.memory_space<hbm>>
      %dma_wait3A_164 = tpu.memref_slice %arg3[%add3A_142] : memref<8192xi32, #tpu.memory_space<hbm>> -> memref<16xi32, #tpu.memory_space<hbm>>
      tpu.wait_dma2 semaphore(%run_scoped3A : memref<!tpu.dma_semaphore, #tpu.memory_space<semaphore_mem>>) src(%dma_wait3A_164 : memref<16xi32, #tpu.memory_space<hbm>>) dst(%arg5 : memref<16xi32, #tpu.memory_space<vmem>>)
      tpu.yield
    }) : () -> ()
    %dma_start3A_143 = arith.constant 0 : i32
    %dma_start3A_144 = arith.constant 0 : i32
    %dma_start3A_145 = tpu.memref_slice %arg2[%dma_start3A_143, %dma_start3A_144] : memref<512x512xf32, #tpu.memory_space<hbm>> -> memref<512x512xf32, #tpu.memory_space<hbm>>
    tpu.enqueue_indirect_dma source(%dma_start3A_145 : memref<512x512xf32, #tpu.memory_space<hbm>>) target(%arg6 : memref<16x512xf32, #tpu.memory_space<vmem>>) offsets(%arg5 : memref<16xi32, #tpu.memory_space<vmem>>) semaphore(%arg7 : memref<!tpu.dma_semaphore, #tpu.memory_space<semaphore_mem>>)
    %dma_wait3A_146 = arith.constant 0 : i32
    %dma_wait3A_147 = arith.constant 0 : i32
    %dma_wait3A_148 = tpu.memref_slice %arg2[%dma_wait3A_146, %dma_wait3A_147] : memref<512x512xf32, #tpu.memory_space<hbm>> -> memref<512x512xf32, #tpu.memory_space<hbm>>
    tpu.wait_indirect_dma semaphore(%arg7 : memref<!tpu.dma_semaphore, #tpu.memory_space<semaphore_mem>>) src(%dma_wait3A_148 : memref<512x512xf32, #tpu.memory_space<hbm>>) dst(%arg6 : memref<16x512xf32, #tpu.memory_space<vmem>>)
    %add3A_149 = arith.constant 224 : i32
    %add3A_150 = arith.addi %mul3A_2, %add3A_149 : i32
    "tpu.region"() ({
      %run_scoped3A = tpu.sem_alloc : memref<!tpu.dma_semaphore, #tpu.memory_space<semaphore_mem>>
      %dma_start3A_161 = arith.constant 0 : i32
      %dma_start3A_162 = tpu.memref_slice %arg4[%add3A_150, %dma_start3A_161] : memref<8192x512xf32, #tpu.memory_space<hbm>> -> memref<16x512xf32, #tpu.memory_space<hbm>>
      %dma_start3A_163 = arith.constant 0 : i32
      %dma_start3A_164 = tpu.memref_slice %arg4[%add3A_150, %dma_start3A_163] : memref<8192x512xf32, #tpu.memory_space<hbm>> -> memref<16x512xf32, #tpu.memory_space<hbm>>
      tpu.enqueue_dma source(%arg6 : memref<16x512xf32, #tpu.memory_space<vmem>>) target(%dma_start3A_164 : memref<16x512xf32, #tpu.memory_space<hbm>>) target_semaphore(%run_scoped3A : memref<!tpu.dma_semaphore, #tpu.memory_space<semaphore_mem>>)
      %dma_wait3A_165 = arith.constant 0 : i32
      %dma_wait3A_166 = tpu.memref_slice %arg4[%add3A_150, %dma_wait3A_165] : memref<8192x512xf32, #tpu.memory_space<hbm>> -> memref<16x512xf32, #tpu.memory_space<hbm>>
      %dma_wait3A_167 = arith.constant 0 : i32
      %dma_wait3A_168 = tpu.memref_slice %arg4[%add3A_150, %dma_wait3A_167] : memref<8192x512xf32, #tpu.memory_space<hbm>> -> memref<16x512xf32, #tpu.memory_space<hbm>>
      tpu.wait_dma2 semaphore(%run_scoped3A : memref<!tpu.dma_semaphore, #tpu.memory_space<semaphore_mem>>) src(%arg6 : memref<16x512xf32, #tpu.memory_space<vmem>>) dst(%dma_wait3A_168 : memref<16x512xf32, #tpu.memory_space<hbm>>)
      tpu.yield
    }) : () -> ()
    %add3A_151 = arith.constant 240 : i32
    %add3A_152 = arith.addi %mul3A_2, %add3A_151 : i32
    "tpu.region"() ({
      %run_scoped3A = tpu.sem_alloc : memref<!tpu.dma_semaphore, #tpu.memory_space<semaphore_mem>>
      %dma_start3A_161 = tpu.memref_slice %arg3[%add3A_152] : memref<8192xi32, #tpu.memory_space<hbm>> -> memref<16xi32, #tpu.memory_space<hbm>>
      %dma_start3A_162 = tpu.memref_slice %arg3[%add3A_152] : memref<8192xi32, #tpu.memory_space<hbm>> -> memref<16xi32, #tpu.memory_space<hbm>>
      tpu.enqueue_dma source(%dma_start3A_162 : memref<16xi32, #tpu.memory_space<hbm>>) target(%arg5 : memref<16xi32, #tpu.memory_space<vmem>>) target_semaphore(%run_scoped3A : memref<!tpu.dma_semaphore, #tpu.memory_space<semaphore_mem>>)
      %dma_wait3A_163 = tpu.memref_slice %arg3[%add3A_152] : memref<8192xi32, #tpu.memory_space<hbm>> -> memref<16xi32, #tpu.memory_space<hbm>>
      %dma_wait3A_164 = tpu.memref_slice %arg3[%add3A_152] : memref<8192xi32, #tpu.memory_space<hbm>> -> memref<16xi32, #tpu.memory_space<hbm>>
      tpu.wait_dma2 semaphore(%run_scoped3A : memref<!tpu.dma_semaphore, #tpu.memory_space<semaphore_mem>>) src(%dma_wait3A_164 : memref<16xi32, #tpu.memory_space<hbm>>) dst(%arg5 : memref<16xi32, #tpu.memory_space<vmem>>)
      tpu.yield
    }) : () -> ()
    %dma_start3A_153 = arith.constant 0 : i32
    %dma_start3A_154 = arith.constant 0 : i32
    %dma_start3A_155 = tpu.memref_slice %arg2[%dma_start3A_153, %dma_start3A_154] : memref<512x512xf32, #tpu.memory_space<hbm>> -> memref<512x512xf32, #tpu.memory_space<hbm>>
    tpu.enqueue_indirect_dma source(%dma_start3A_155 : memref<512x512xf32, #tpu.memory_space<hbm>>) target(%arg6 : memref<16x512xf32, #tpu.memory_space<vmem>>) offsets(%arg5 : memref<16xi32, #tpu.memory_space<vmem>>) semaphore(%arg7 : memref<!tpu.dma_semaphore, #tpu.memory_space<semaphore_mem>>)
    %dma_wait3A_156 = arith.constant 0 : i32
    %dma_wait3A_157 = arith.constant 0 : i32
    %dma_wait3A_158 = tpu.memref_slice %arg2[%dma_wait3A_156, %dma_wait3A_157] : memref<512x512xf32, #tpu.memory_space<hbm>> -> memref<512x512xf32, #tpu.memory_space<hbm>>
    tpu.wait_indirect_dma semaphore(%arg7 : memref<!tpu.dma_semaphore, #tpu.memory_space<semaphore_mem>>) src(%dma_wait3A_158 : memref<512x512xf32, #tpu.memory_space<hbm>>) dst(%arg6 : memref<16x512xf32, #tpu.memory_space<vmem>>)
    %add3A_159 = arith.constant 240 : i32
    %add3A_160 = arith.addi %mul3A_2, %add3A_159 : i32
    "tpu.region"() ({
      %run_scoped3A = tpu.sem_alloc : memref<!tpu.dma_semaphore, #tpu.memory_space<semaphore_mem>>
      %dma_start3A_161 = arith.constant 0 : i32
      %dma_start3A_162 = tpu.memref_slice %arg4[%add3A_160, %dma_start3A_161] : memref<8192x512xf32, #tpu.memory_space<hbm>> -> memref<16x512xf32, #tpu.memory_space<hbm>>
      %dma_start3A_163 = arith.constant 0 : i32
      %dma_start3A_164 = tpu.memref_slice %arg4[%add3A_160, %dma_start3A_163] : memref<8192x512xf32, #tpu.memory_space<hbm>> -> memref<16x512xf32, #tpu.memory_space<hbm>>
      tpu.enqueue_dma source(%arg6 : memref<16x512xf32, #tpu.memory_space<vmem>>) target(%dma_start3A_164 : memref<16x512xf32, #tpu.memory_space<hbm>>) target_semaphore(%run_scoped3A : memref<!tpu.dma_semaphore, #tpu.memory_space<semaphore_mem>>)
      %dma_wait3A_165 = arith.constant 0 : i32
      %dma_wait3A_166 = tpu.memref_slice %arg4[%add3A_160, %dma_wait3A_165] : memref<8192x512xf32, #tpu.memory_space<hbm>> -> memref<16x512xf32, #tpu.memory_space<hbm>>
      %dma_wait3A_167 = arith.constant 0 : i32
      %dma_wait3A_168 = tpu.memref_slice %arg4[%add3A_160, %dma_wait3A_167] : memref<8192x512xf32, #tpu.memory_space<hbm>> -> memref<16x512xf32, #tpu.memory_space<hbm>>
      tpu.wait_dma2 semaphore(%run_scoped3A : memref<!tpu.dma_semaphore, #tpu.memory_space<semaphore_mem>>) src(%arg6 : memref<16x512xf32, #tpu.memory_space<vmem>>) dst(%dma_wait3A_168 : memref<16x512xf32, #tpu.memory_space<hbm>>)
      tpu.yield
    }) : () -> ()
    return
  }
}

module attributes {stable_mosaic.version = 14 : i64} {
  func.func @_front_body(%arg0: i32, %arg1: memref<1x512x2048xf32, #tpu.memory_space<vmem>>, %arg2: memref<512x512xbf16, #tpu.memory_space<vmem>>, %arg3: memref<512x2048xf32, #tpu.memory_space<vmem>>, %arg4: memref<512x1xf32, #tpu.memory_space<vmem>>, %arg5: memref<512x512xf32, #tpu.memory_space<vmem>>, %arg6: memref<1x512xf32, #tpu.memory_space<vmem>>, %arg7: memref<1x512x512xf32, #tpu.memory_space<vmem>>, %arg8: memref<1x512x1xi32, #tpu.memory_space<vmem>>) attributes {dimension_semantics = [#tpu.dimension_semantics<arbitrary>], iteration_bounds = array<i64: 16>, scalar_prefetch = 0 : i64, scratch_operands = 0 : i64, tpu.core_type = #tpu.core_type<tc>, window_params = [{transform_indices = @transform_0, window_bounds = array<i64: 1, 512, 2048>}, {pipeline_mode = #tpu.pipeline_mode<synchronous>, transform_indices = @transform_1, window_bounds = array<i64: 512, 512>}, {pipeline_mode = #tpu.pipeline_mode<synchronous>, transform_indices = @transform_2, window_bounds = array<i64: 512, 2048>}, {pipeline_mode = #tpu.pipeline_mode<synchronous>, transform_indices = @transform_3, window_bounds = array<i64: 512, 1>}, {pipeline_mode = #tpu.pipeline_mode<synchronous>, transform_indices = @transform_4, window_bounds = array<i64: 512, 512>}, {pipeline_mode = #tpu.pipeline_mode<synchronous>, transform_indices = @transform_5, window_bounds = array<i64: 1, 512>}, {transform_indices = @transform_6, window_bounds = array<i64: 1, 512, 512>}, {transform_indices = @transform_7, window_bounds = array<i64: 1, 512, 1>}]} {
    %get3A = arith.constant 0 : index
    %get3A_0 = arith.constant 0 : index
    %get3A_1 = vector.load %arg2[%get3A, %get3A_0] : memref<512x512xbf16, #tpu.memory_space<vmem>>, vector<512x512xbf16>
    %get3A_2 = arith.constant 0 : index
    %get3A_3 = arith.constant 0 : index
    %get3A_4 = arith.constant 0 : index
    %get3A_5 = vector.load %arg1[%get3A_2, %get3A_3, %get3A_4] : memref<1x512x2048xf32, #tpu.memory_space<vmem>>, vector<1x512x2048xf32>
    %get3A_6 = vector.shape_cast %get3A_5 : vector<1x512x2048xf32> to vector<512x2048xf32>
    %convert_element_type3A = arith.truncf %get3A_6 : vector<512x2048xf32> to vector<512x2048xbf16>
    %slice3A = vector.extract_strided_slice %convert_element_type3A {offsets = [0, 0], sizes = [512, 512], strides = [1, 1]} : vector<512x2048xbf16> to vector<512x512xbf16>
    %dot_general3A = arith.constant dense<0.000000e+00> : vector<512x512xf32>
    %dot_general3A_7 = tpu.matmul %slice3A, %get3A_1, %dot_general3A {dimension_numbers = #tpu.dot_dimension_numbers<[1], [0], [0], [1], [0, 0, 1, 1], [], []>, transpose_lhs_hint = false} : vector<512x512xbf16>, vector<512x512xbf16>, vector<512x512xf32> -> vector<512x512xf32>
    %slice3A_8 = vector.extract_strided_slice %convert_element_type3A {offsets = [0, 512], sizes = [512, 512], strides = [1, 1]} : vector<512x2048xbf16> to vector<512x512xbf16>
    %dot_general3A_9 = arith.constant dense<0.000000e+00> : vector<512x512xf32>
    %dot_general3A_10 = tpu.matmul %slice3A_8, %get3A_1, %dot_general3A_9 {dimension_numbers = #tpu.dot_dimension_numbers<[1], [0], [0], [1], [0, 0, 1, 1], [], []>, transpose_lhs_hint = false} : vector<512x512xbf16>, vector<512x512xbf16>, vector<512x512xf32> -> vector<512x512xf32>
    %slice3A_11 = vector.extract_strided_slice %convert_element_type3A {offsets = [0, 1024], sizes = [512, 512], strides = [1, 1]} : vector<512x2048xbf16> to vector<512x512xbf16>
    %dot_general3A_12 = arith.constant dense<0.000000e+00> : vector<512x512xf32>
    %dot_general3A_13 = tpu.matmul %slice3A_11, %get3A_1, %dot_general3A_12 {dimension_numbers = #tpu.dot_dimension_numbers<[1], [0], [0], [1], [0, 0, 1, 1], [], []>, transpose_lhs_hint = false} : vector<512x512xbf16>, vector<512x512xbf16>, vector<512x512xf32> -> vector<512x512xf32>
    %slice3A_14 = vector.extract_strided_slice %convert_element_type3A {offsets = [0, 1536], sizes = [512, 512], strides = [1, 1]} : vector<512x2048xbf16> to vector<512x512xbf16>
    %dot_general3A_15 = arith.constant dense<0.000000e+00> : vector<512x512xf32>
    %dot_general3A_16 = tpu.matmul %slice3A_14, %get3A_1, %dot_general3A_15 {dimension_numbers = #tpu.dot_dimension_numbers<[1], [0], [0], [1], [0, 0, 1, 1], [], []>, transpose_lhs_hint = false} : vector<512x512xbf16>, vector<512x512xbf16>, vector<512x512xf32> -> vector<512x512xf32>
    %slice3A_17 = vector.extract_strided_slice %dot_general3A_7 {offsets = [0, 0], sizes = [512, 128], strides = [1, 1]} : vector<512x512xf32> to vector<512x128xf32>
    %slice3A_18 = vector.extract_strided_slice %dot_general3A_10 {offsets = [0, 0], sizes = [512, 128], strides = [1, 1]} : vector<512x512xf32> to vector<512x128xf32>
    %slice3A_19 = vector.extract_strided_slice %dot_general3A_13 {offsets = [0, 0], sizes = [512, 128], strides = [1, 1]} : vector<512x512xf32> to vector<512x128xf32>
    %slice3A_20 = vector.extract_strided_slice %dot_general3A_16 {offsets = [0, 0], sizes = [512, 128], strides = [1, 1]} : vector<512x512xf32> to vector<512x128xf32>
    %concatenate3A = tpu.concatenate %slice3A_17, %slice3A_18, %slice3A_19, %slice3A_20 in 1 : vector<512x128xf32>, vector<512x128xf32>, vector<512x128xf32>, vector<512x128xf32> -> vector<512x512xf32>
    %slice3A_21 = vector.extract_strided_slice %dot_general3A_7 {offsets = [0, 128], sizes = [512, 128], strides = [1, 1]} : vector<512x512xf32> to vector<512x128xf32>
    %slice3A_22 = vector.extract_strided_slice %dot_general3A_10 {offsets = [0, 128], sizes = [512, 128], strides = [1, 1]} : vector<512x512xf32> to vector<512x128xf32>
    %slice3A_23 = vector.extract_strided_slice %dot_general3A_13 {offsets = [0, 128], sizes = [512, 128], strides = [1, 1]} : vector<512x512xf32> to vector<512x128xf32>
    %slice3A_24 = vector.extract_strided_slice %dot_general3A_16 {offsets = [0, 128], sizes = [512, 128], strides = [1, 1]} : vector<512x512xf32> to vector<512x128xf32>
    %concatenate3A_25 = tpu.concatenate %slice3A_21, %slice3A_22, %slice3A_23, %slice3A_24 in 1 : vector<512x128xf32>, vector<512x128xf32>, vector<512x128xf32>, vector<512x128xf32> -> vector<512x512xf32>
    %slice3A_26 = vector.extract_strided_slice %dot_general3A_7 {offsets = [0, 256], sizes = [512, 128], strides = [1, 1]} : vector<512x512xf32> to vector<512x128xf32>
    %slice3A_27 = vector.extract_strided_slice %dot_general3A_10 {offsets = [0, 256], sizes = [512, 128], strides = [1, 1]} : vector<512x512xf32> to vector<512x128xf32>
    %slice3A_28 = vector.extract_strided_slice %dot_general3A_13 {offsets = [0, 256], sizes = [512, 128], strides = [1, 1]} : vector<512x512xf32> to vector<512x128xf32>
    %slice3A_29 = vector.extract_strided_slice %dot_general3A_16 {offsets = [0, 256], sizes = [512, 128], strides = [1, 1]} : vector<512x512xf32> to vector<512x128xf32>
    %concatenate3A_30 = tpu.concatenate %slice3A_26, %slice3A_27, %slice3A_28, %slice3A_29 in 1 : vector<512x128xf32>, vector<512x128xf32>, vector<512x128xf32>, vector<512x128xf32> -> vector<512x512xf32>
    %slice3A_31 = vector.extract_strided_slice %dot_general3A_7 {offsets = [0, 384], sizes = [512, 128], strides = [1, 1]} : vector<512x512xf32> to vector<512x128xf32>
    %slice3A_32 = vector.extract_strided_slice %dot_general3A_10 {offsets = [0, 384], sizes = [512, 128], strides = [1, 1]} : vector<512x512xf32> to vector<512x128xf32>
    %slice3A_33 = vector.extract_strided_slice %dot_general3A_13 {offsets = [0, 384], sizes = [512, 128], strides = [1, 1]} : vector<512x512xf32> to vector<512x128xf32>
    %slice3A_34 = vector.extract_strided_slice %dot_general3A_16 {offsets = [0, 384], sizes = [512, 128], strides = [1, 1]} : vector<512x512xf32> to vector<512x128xf32>
    %concatenate3A_35 = tpu.concatenate %slice3A_31, %slice3A_32, %slice3A_33, %slice3A_34 in 1 : vector<512x128xf32>, vector<512x128xf32>, vector<512x128xf32>, vector<512x128xf32> -> vector<512x512xf32>
    %concatenate3A_36 = tpu.concatenate %concatenate3A, %concatenate3A_25, %concatenate3A_30, %concatenate3A_35 in 0 : vector<512x512xf32>, vector<512x512xf32>, vector<512x512xf32>, vector<512x512xf32> -> vector<2048x512xf32>
    %get3A_37 = arith.constant 0 : index
    %get3A_38 = arith.constant 0 : index
    %get3A_39 = vector.load %arg3[%get3A_37, %get3A_38] : memref<512x2048xf32, #tpu.memory_space<vmem>>, vector<512x2048xf32>
    %dot_general3A_40 = arith.constant dense<0.000000e+00> : vector<512x512xf32>
    %dot_general3A_41 = tpu.matmul %get3A_39, %concatenate3A_36, %dot_general3A_40 {dimension_numbers = #tpu.dot_dimension_numbers<[1], [0], [0], [1], [0, 0, 1, 1], [], []>, transpose_lhs_hint = false} : vector<512x2048xf32>, vector<2048x512xf32>, vector<512x512xf32> -> vector<512x512xf32>
    %get3A_42 = arith.constant 0 : index
    %get3A_43 = arith.constant 0 : index
    %get3A_44 = vector.load %arg4[%get3A_42, %get3A_43] : memref<512x1xf32, #tpu.memory_space<vmem>>, vector<512x1xf32>
    %add3A = vector.broadcast %get3A_44 : vector<512x1xf32> to vector<512x512xf32>
    %add3A_45 = arith.addf %dot_general3A_41, %add3A : vector<512x512xf32>
    %mul3A = arith.mulf %add3A_45, %add3A_45 : vector<512x512xf32>
    %reduce_sum3A = arith.constant dense<0.000000e+00> : vector<512xf32>
    %reduce_sum3A_46 = vector.multi_reduction <add>, %mul3A, %reduce_sum3A [1] : vector<512x512xf32> to vector<512xf32>
    %broadcast_in_dim3A = vector.shape_cast %reduce_sum3A_46 : vector<512xf32> to vector<512x1xf32>
    %get3A_47 = arith.constant 0 : index
    %get3A_48 = arith.constant 0 : index
    %get3A_49 = vector.load %arg5[%get3A_47, %get3A_48] : memref<512x512xf32, #tpu.memory_space<vmem>>, vector<512x512xf32>
    %dot_general3A_50 = arith.constant dense<0.000000e+00> : vector<512x512xf32>
    %dot_general3A_51 = tpu.matmul %add3A_45, %get3A_49, %dot_general3A_50 {dimension_numbers = #tpu.dot_dimension_numbers<[1], [0], [0], [1], [0, 0, 1, 1], [], []>, transpose_lhs_hint = false} : vector<512x512xf32>, vector<512x512xf32>, vector<512x512xf32> -> vector<512x512xf32>
    %get3A_52 = arith.constant 0 : index
    %get3A_53 = arith.constant 0 : index
    %get3A_54 = vector.load %arg6[%get3A_52, %get3A_53] : memref<1x512xf32, #tpu.memory_space<vmem>>, vector<1x512xf32>
    %add3A_55 = vector.broadcast %broadcast_in_dim3A : vector<512x1xf32> to vector<512x512xf32>
    %add3A_56 = vector.broadcast %get3A_54 : vector<1x512xf32> to vector<512x512xf32>
    %add3A_57 = arith.addf %add3A_55, %add3A_56 : vector<512x512xf32>
    %mul3A_58 = arith.constant 2.000000e+00 : f32
    %mul3A_59 = vector.broadcast %mul3A_58 : f32 to vector<512x512xf32>
    %mul3A_60 = arith.mulf %mul3A_59, %dot_general3A_51 : vector<512x512xf32>
    %sub3A = arith.subf %add3A_57, %mul3A_60 : vector<512x512xf32>
    %reduce_min3A = arith.constant dense<0x7F800000> : vector<512xf32>
    %reduce_min3A_61 = vector.multi_reduction <minimumf>, %sub3A, %reduce_min3A [1] : vector<512x512xf32> to vector<512xf32>
    %broadcast_in_dim3A_62 = vector.shape_cast %reduce_min3A_61 : vector<512xf32> to vector<512x1xf32>
    %iota3A = tpu.iota {dimensions = array<i32: 1>} : vector<512x512xi32>
    %eq3A = vector.broadcast %broadcast_in_dim3A_62 : vector<512x1xf32> to vector<512x512xf32>
    %eq3A_63 = arith.cmpf oeq, %sub3A, %eq3A : vector<512x512xf32>
    %jit3A = arith.constant 512 : i32
    %broadcast_in_dim3A_64 = vector.broadcast %jit3A : i32 to vector<512x512xi32>
    %select_n3A = arith.select %eq3A_63, %iota3A, %broadcast_in_dim3A_64 : vector<512x512xi1>, vector<512x512xi32>
    %reduce_min3A_65 = arith.constant dense<2147483647> : vector<512xi32>
    %reduce_min3A_66 = vector.multi_reduction <minsi>, %select_n3A, %reduce_min3A_65 [1] : vector<512x512xi32> to vector<512xi32>
    %broadcast_in_dim3A_67 = vector.shape_cast %reduce_min3A_66 : vector<512xi32> to vector<512x1xi32>
    %swap3A = arith.constant 0 : index
    %swap3A_68 = arith.constant 0 : index
    %swap3A_69 = arith.constant 0 : index
    %swap3A_70 = vector.load %arg7[%swap3A, %swap3A_68, %swap3A_69] : memref<1x512x512xf32, #tpu.memory_space<vmem>>, vector<1x512x512xf32>
    %swap3A_71 = vector.shape_cast %swap3A_70 : vector<1x512x512xf32> to vector<512x512xf32>
    %swap3A_72 = vector.shape_cast %add3A_45 : vector<512x512xf32> to vector<1x512x512xf32>
    tpu.vector_store %arg7[%swap3A, %swap3A_68, %swap3A_69], %swap3A_72 {strides = array<i32>} : memref<1x512x512xf32, #tpu.memory_space<vmem>>, vector<1x512x512xf32>,
    %swap3A_73 = arith.constant 0 : index
    %swap3A_74 = arith.constant 0 : index
    %swap3A_75 = arith.constant 0 : index
    %swap3A_76 = vector.load %arg8[%swap3A_73, %swap3A_74, %swap3A_75] : memref<1x512x1xi32, #tpu.memory_space<vmem>>, vector<1x512x1xi32>
    %swap3A_77 = vector.shape_cast %swap3A_76 : vector<1x512x1xi32> to vector<512x1xi32>
    %swap3A_78 = vector.shape_cast %broadcast_in_dim3A_67 : vector<512x1xi32> to vector<1x512x1xi32>
    tpu.vector_store %arg8[%swap3A_73, %swap3A_74, %swap3A_75], %swap3A_78 {strides = array<i32>} : memref<1x512x1xi32, #tpu.memory_space<vmem>>, vector<1x512x1xi32>,
    return
  }
  func.func @transform_0(%arg0: i32) -> (i32, i32, i32) {
    %c0_i32 = arith.constant 0 : i32
    %c0_i32_0 = arith.constant 0 : i32
    %c0_i32_1 = arith.constant 0 : i32
    return %arg0, %c0_i32, %c0_i32_0 : i32, i32, i32
  }
  func.func @transform_1(%arg0: i32) -> (i32, i32) {
    %c0_i32 = arith.constant 0 : i32
    %c0_i32_0 = arith.constant 0 : i32
    %c0_i32_1 = arith.constant 0 : i32
    return %c0_i32, %c0_i32_0 : i32, i32
  }
  func.func @transform_2(%arg0: i32) -> (i32, i32) {
    %c0_i32 = arith.constant 0 : i32
    %c0_i32_0 = arith.constant 0 : i32
    %c0_i32_1 = arith.constant 0 : i32
    return %c0_i32, %c0_i32_0 : i32, i32
  }
  func.func @transform_3(%arg0: i32) -> (i32, i32) {
    %c0_i32 = arith.constant 0 : i32
    %c0_i32_0 = arith.constant 0 : i32
    %c0_i32_1 = arith.constant 0 : i32
    return %c0_i32, %c0_i32_0 : i32, i32
  }
  func.func @transform_4(%arg0: i32) -> (i32, i32) {
    %c0_i32 = arith.constant 0 : i32
    %c0_i32_0 = arith.constant 0 : i32
    %c0_i32_1 = arith.constant 0 : i32
    return %c0_i32, %c0_i32_0 : i32, i32
  }
  func.func @transform_5(%arg0: i32) -> (i32, i32) {
    %c0_i32 = arith.constant 0 : i32
    %c0_i32_0 = arith.constant 0 : i32
    %c0_i32_1 = arith.constant 0 : i32
    return %c0_i32, %c0_i32_0 : i32, i32
  }
  func.func @transform_6(%arg0: i32) -> (i32, i32, i32) {
    %c0_i32 = arith.constant 0 : i32
    %c0_i32_0 = arith.constant 0 : i32
    %c0_i32_1 = arith.constant 0 : i32
    return %arg0, %c0_i32, %c0_i32_0 : i32, i32, i32
  }
  func.func @transform_7(%arg0: i32) -> (i32, i32, i32) {
    %c0_i32 = arith.constant 0 : i32
    %c0_i32_0 = arith.constant 0 : i32
    %c0_i32_1 = arith.constant 0 : i32
    return %arg0, %c0_i32, %c0_i32_0 : i32, i32, i32
  }
}

module attributes {stable_mosaic.version = 14 : i64} {
  func.func @_back_body(%arg0: i32, %arg1: memref<1x512x512xf32, #tpu.memory_space<vmem>>, %arg2: memref<1x512x512xf32, #tpu.memory_space<vmem>>, %arg3: memref<512x512xf32, #tpu.memory_space<vmem>>, %arg4: memref<512x1xf32, #tpu.memory_space<vmem>>, %arg5: memref<512x512xf32, #tpu.memory_space<vmem>>, %arg6: memref<512x1xf32, #tpu.memory_space<vmem>>, %arg7: memref<1x512x512xf32, #tpu.memory_space<vmem>>) attributes {dimension_semantics = [#tpu.dimension_semantics<arbitrary>], iteration_bounds = array<i64: 16>, scalar_prefetch = 0 : i64, scratch_operands = 0 : i64, tpu.core_type = #tpu.core_type<tc>, window_params = [{transform_indices = @transform_0, window_bounds = array<i64: 1, 512, 512>}, {transform_indices = @transform_1, window_bounds = array<i64: 1, 512, 512>}, {pipeline_mode = #tpu.pipeline_mode<synchronous>, transform_indices = @transform_2, window_bounds = array<i64: 512, 512>}, {pipeline_mode = #tpu.pipeline_mode<synchronous>, transform_indices = @transform_3, window_bounds = array<i64: 512, 1>}, {pipeline_mode = #tpu.pipeline_mode<synchronous>, transform_indices = @transform_4, window_bounds = array<i64: 512, 512>}, {pipeline_mode = #tpu.pipeline_mode<synchronous>, transform_indices = @transform_5, window_bounds = array<i64: 512, 1>}, {transform_indices = @transform_6, window_bounds = array<i64: 1, 512, 512>}]} {
    %get3A = arith.constant 0 : index
    %get3A_0 = arith.constant 0 : index
    %get3A_1 = arith.constant 0 : index
    %get3A_2 = vector.load %arg1[%get3A, %get3A_0, %get3A_1] : memref<1x512x512xf32, #tpu.memory_space<vmem>>, vector<1x512x512xf32>
    %get3A_3 = vector.shape_cast %get3A_2 : vector<1x512x512xf32> to vector<512x512xf32>
    %get3A_4 = arith.constant 0 : index
    %get3A_5 = arith.constant 0 : index
    %get3A_6 = arith.constant 0 : index
    %get3A_7 = vector.load %arg2[%get3A_4, %get3A_5, %get3A_6] : memref<1x512x512xf32, #tpu.memory_space<vmem>>, vector<1x512x512xf32>
    %get3A_8 = vector.shape_cast %get3A_7 : vector<1x512x512xf32> to vector<512x512xf32>
    %sub3A = arith.subf %get3A_3, %get3A_8 : vector<512x512xf32>
    %get3A_9 = arith.constant 0 : index
    %get3A_10 = arith.constant 0 : index
    %get3A_11 = vector.load %arg3[%get3A_9, %get3A_10] : memref<512x512xf32, #tpu.memory_space<vmem>>, vector<512x512xf32>
    %dot_general3A = arith.constant dense<0.000000e+00> : vector<512x512xf32>
    %dot_general3A_12 = tpu.matmul %get3A_11, %sub3A, %dot_general3A {dimension_numbers = #tpu.dot_dimension_numbers<[1], [0], [0], [1], [0, 0, 1, 1], [], []>, transpose_lhs_hint = false} : vector<512x512xf32>, vector<512x512xf32>, vector<512x512xf32> -> vector<512x512xf32>
    %get3A_13 = arith.constant 0 : index
    %get3A_14 = arith.constant 0 : index
    %get3A_15 = vector.load %arg4[%get3A_13, %get3A_14] : memref<512x1xf32, #tpu.memory_space<vmem>>, vector<512x1xf32>
    %add3A = vector.broadcast %get3A_15 : vector<512x1xf32> to vector<512x512xf32>
    %add3A_16 = arith.addf %dot_general3A_12, %add3A : vector<512x512xf32>
    %max3A = arith.constant 0.000000e+00 : f32
    %max3A_17 = vector.broadcast %max3A : f32 to vector<512x512xf32>
    %max3A_18 = arith.maximumf %add3A_16, %max3A_17 : vector<512x512xf32>
    %get3A_19 = arith.constant 0 : index
    %get3A_20 = arith.constant 0 : index
    %get3A_21 = vector.load %arg5[%get3A_19, %get3A_20] : memref<512x512xf32, #tpu.memory_space<vmem>>, vector<512x512xf32>
    %dot_general3A_22 = arith.constant dense<0.000000e+00> : vector<512x512xf32>
    %dot_general3A_23 = tpu.matmul %get3A_21, %max3A_18, %dot_general3A_22 {dimension_numbers = #tpu.dot_dimension_numbers<[1], [0], [0], [1], [0, 0, 1, 1], [], []>, transpose_lhs_hint = false} : vector<512x512xf32>, vector<512x512xf32>, vector<512x512xf32> -> vector<512x512xf32>
    %get3A_24 = arith.constant 0 : index
    %get3A_25 = arith.constant 0 : index
    %get3A_26 = vector.load %arg6[%get3A_24, %get3A_25] : memref<512x1xf32, #tpu.memory_space<vmem>>, vector<512x1xf32>
    %add3A_27 = vector.broadcast %get3A_26 : vector<512x1xf32> to vector<512x512xf32>
    %add3A_28 = arith.addf %dot_general3A_23, %add3A_27 : vector<512x512xf32>
    %add3A_29 = arith.addf %add3A_28, %get3A_8 : vector<512x512xf32>
    %swap3A = arith.constant 0 : index
    %swap3A_30 = arith.constant 0 : index
    %swap3A_31 = arith.constant 0 : index
    %swap3A_32 = vector.load %arg7[%swap3A, %swap3A_30, %swap3A_31] : memref<1x512x512xf32, #tpu.memory_space<vmem>>, vector<1x512x512xf32>
    %swap3A_33 = vector.shape_cast %swap3A_32 : vector<1x512x512xf32> to vector<512x512xf32>
    %swap3A_34 = vector.shape_cast %add3A_29 : vector<512x512xf32> to vector<1x512x512xf32>
    tpu.vector_store %arg7[%swap3A, %swap3A_30, %swap3A_31], %swap3A_34 {strides = array<i32>} : memref<1x512x512xf32, #tpu.memory_space<vmem>>, vector<1x512x512xf32>,
    return
  }
  func.func @transform_0(%arg0: i32) -> (i32, i32, i32) {
    %c0_i32 = arith.constant 0 : i32
    %c0_i32_0 = arith.constant 0 : i32
    %c0_i32_1 = arith.constant 0 : i32
    return %arg0, %c0_i32, %c0_i32_0 : i32, i32, i32
  }
  func.func @transform_1(%arg0: i32) -> (i32, i32, i32) {
    %c0_i32 = arith.constant 0 : i32
    %c0_i32_0 = arith.constant 0 : i32
    %c0_i32_1 = arith.constant 0 : i32
    return %arg0, %c0_i32, %c0_i32_0 : i32, i32, i32
  }
  func.func @transform_2(%arg0: i32) -> (i32, i32) {
    %c0_i32 = arith.constant 0 : i32
    %c0_i32_0 = arith.constant 0 : i32
    %c0_i32_1 = arith.constant 0 : i32
    return %c0_i32, %c0_i32_0 : i32, i32
  }
  func.func @transform_3(%arg0: i32) -> (i32, i32) {
    %c0_i32 = arith.constant 0 : i32
    %c0_i32_0 = arith.constant 0 : i32
    %c0_i32_1 = arith.constant 0 : i32
    return %c0_i32, %c0_i32_0 : i32, i32
  }
  func.func @transform_4(%arg0: i32) -> (i32, i32) {
    %c0_i32 = arith.constant 0 : i32
    %c0_i32_0 = arith.constant 0 : i32
    %c0_i32_1 = arith.constant 0 : i32
    return %c0_i32, %c0_i32_0 : i32, i32
  }
  func.func @transform_5(%arg0: i32) -> (i32, i32) {
    %c0_i32 = arith.constant 0 : i32
    %c0_i32_0 = arith.constant 0 : i32
    %c0_i32_1 = arith.constant 0 : i32
    return %c0_i32, %c0_i32_0 : i32, i32
  }
  func.func @transform_6(%arg0: i32) -> (i32, i32, i32) {
    %c0_i32 = arith.constant 0 : i32
    %c0_i32_0 = arith.constant 0 : i32
    %c0_i32_1 = arith.constant 0 : i32
    return %arg0, %c0_i32, %c0_i32_0 : i32, i32, i32
  }
}

</mosaic_0001>

<sc_bundles>
// kernel: kernel.5.cloned.1.call-start
scs
__scs_entry_jumppad:
0x0: {  	(pc) =	sbr.rel $0x88, $3  }
0x1: {  	(tag) =	ssettag $0x0;
	lr =	simm.s32 $0x1  }
0x2: {  	[smem:$0x3F99] =	sst lr;
	_ =	strace $0xD0000000  }
0x3: {  	_ = 	snop  }
0x4: {  	_ = 	snop  }
0x5: {  	_ = 	snop  }
0x6: {  	_ = 	snop  }
0x7: {  	_ = 	snop  }
__scs_overlays_trampoline_lowered:
0x8: {  	[smem:$0x3FA8] =	sst s0  }
0x9: {  	[smem:$0x3FA9] =	sst s1  }
0xa: {  	[smem:$0x3FAA] =	sst s2  }
0xb: {  	[smem:$0x3FAB] =	sst s3  }
0xc: {  	[smem:$0x3FAC] =	sst s4  }
0xd: {  	[smem:$0x3FAD] =	sst s5  }
0xe: {  	[smem:$0x3FAE] =	sst s6  }
0xf: {  	[smem:$0x3FAF] =	sst s7  }
0x10: {  	[smem:$0x3FB0] =	sst s8  }
0x11: {  	[smem:$0x3FB1] =	sst s9;
	s0 =	simm.s32 @!p0 $0x0  }
0x12: {  	s1 =	sld [smem:$0x3F97];
	s0 =	simm.s32 @p0 $0x1  }
0x13: {  	[smem:$0x3FB2] =	sst s0;
	s0 =	simm.s32 @!p1 $0x0  }
0x14: {  	s2 =	sld [smem:$0x3F96];
	s0 =	simm.s32 @p1 $0x1  }
0x15: {  	[smem:$0x3FB3] =	sst s0;
	s0 =	simm.s32 @!p2 $0x0  }
0x16: {  	s3 =	sld [smem:$0x3FDB];
	s0 =	simm.s32 @p2 $0x1  }
0x17: {  	s4 =	simm.s32 $0x1BF5;
	[smem:$0x3FB5] =	sst s0  }
0x18: {  	s0 =	sld [smem:$0x3F98];
	_ =	swait.ge [sflag:s4], $0x0  }
0x19: {  	s7 =	sld [smem:$0x3F99]  }
0x1a: {  	s8 =	sadd.s32 $0xFFFFE003, lr  }
0x1b: {  	s9 =	sadd.s32 $0xFFFFFEF7, lr;
	s5 =	simm.s32 $0xFFFFFFFF;
	p2 =	slt.u32 s8, $0xFFFFF086  }
0x1c: {  	p1 =	slt.u32 s9, $0xF7A;
	s5 =	simm.s32 @!p2 $0x0  }
0x1d: {  	s5 =	simm.s32 @p1 $0x1;
	p0 =	seq.s32 s7, s2  }
0x1e: {  	s7 =	smul.u32 @!p0 $0xF7A, s2;
	p2 =	seq.s32 @!p0 s5, $0x0  }
0x1f: {  	s9 =	smul.u32 $0xF7A, s1;
	s8 =	simm.s32 @!p0 $0x1BF5;
	p2 =	por !p2, p0  }
0x20: {  	[sflag:s8] =	ssyncset.s32 @!p0 $0xFFFFF086;
	s6 =	sadd.s32 @!p0 s3, s7;
	s7 =	simm.s32 @!p0 $0x108  }
0x21: {  	s3 =	sadd.s32 s3, s9;
	s6 =	sadd.s32 @!p0 $0x88, s6;
	s7 =	simm.s32 @p2 $0x1082  }
0x22: {  	[simem:s7], [sflag:s8] =	dma.local @!p0 [hbm:s6], $0xF7A  }
0x23: {  	s9 =	sor.u32 $0xD0000000, s2;
	s6 =	simm.s32 $0x108;
	_ =	swait.ge @!p0 [sflag:s8], $0x0  }
0x24: {  	s3 =	sadd.s32 $0x88, s3;
	s6 =	simm.s32 @!p1 $0x1082;
	[sflag:s4] =	ssyncset.s32 $0xFFFFF086  }
0x25: {  	[simem:s6], [sflag:s4] =	dma.local [hbm:s3], $0xF7A  }
0x26: {  	[smem:$0x3F99] =	sst s1;
	(tag) =	ssettag s2;
	_ =	strace s9  }
0x27: {  	s1 =	sld [smem:$0x3FA9]  }
0x28: {  	s2 =	sld [smem:$0x3FAA]  }
0x29: {  	s4 =	sld [smem:$0x3FAC]  }
0x2a: {  	p0 =	seq.s32 s5, $0x0;
	s5 =	sld [smem:$0x3FAD]  }
0x2b: {  	s6 =	sld [smem:$0x3FAE]  }
0x2c: {  	s7 =	sld [smem:$0x3FAF]  }
0x2d: {  	s3 =	simm.s32 $0x108;
	s8 =	sld [smem:$0x3FB0]  }
0x2e: {  	s3 =	simm.s32 @!p0 $0x1082;
	s9 =	sld [smem:$0x3FB1]  }
0x2f: {  	lr =	sadd.s32 s0, s3;
	s0 =	sld [smem:$0x3FA8]  }
0x30: {  	s3 =	sld [smem:$0x3FAB]  }
0x31: {  	[smem:$0x3FB4] =	sst s10  }
0x32: {  	s10 =	sld [smem:$0x3FB2];
	_ =	sdelay $0x3  }
0x33: {  	p0 =	seq.s32 s10, $0x1;
	s10 =	sld [smem:$0x3FB4];
	_ =	sdelay $0x3  }
0x34: {  	[smem:$0x3FB4] =	sst s10  }
0x35: {  	s10 =	sld [smem:$0x3FB3];
	_ =	sdelay $0x3  }
0x36: {  	p1 =	seq.s32 s10, $0x1;
	s10 =	sld [smem:$0x3FB4];
	_ =	sdelay $0x3  }
0x37: {  	[smem:$0x3FB4] =	sst s10  }
0x38: {  	s10 =	sld [smem:$0x3FB5]  }
0x39: {  	_ = 	snop;
	(pc) =	sbr.ind lr, $3  }
0x3a: {  	_ = 	snop  }
0x3b: {  	_ = 	snop  }
0x3c: {  	p2 =	seq.s32 s10, $0x1;
	s10 =	sld [smem:$0x3FB4]  }
0x3d: {  	_ =	shalt  }
0x3e: {  	_ =	shalt  }
0x3f: {  	_ =	shalt  }
0x40: {  	_ =	shalt  }
0x41: {  	_ =	shalt  }
0x42: {  	_ =	shalt  }
0x43: {  	_ =	shalt  }
0x44: {  	_ =	shalt  }
0x45: {  	_ =	shalt  }
0x46: {  	_ =	shalt  }
0x47: {  	_ =	shalt  }
0x48: {  	_ =	shalt  }
0x49: {  	_ =	shalt  }
0x4a: {  	_ =	shalt  }
0x4b: {  	_ =	shalt  }
0x4c: {  	_ =	shalt  }
0x4d: {  	_ =	shalt  }
0x4e: {  	_ =	shalt  }
0x4f: {  	_ =	shalt  }
0x50: {  	_ =	shalt  }
0x51: {  	_ =	shalt  }
0x52: {  	_ =	shalt  }
0x53: {  	_ =	shalt  }
0x54: {  	_ =	shalt  }
0x55: {  	_ =	shalt  }
0x56: {  	_ =	shalt  }
0x57: {  	_ =	shalt  }
0x58: {  	_ =	shalt  }
0x59: {  	_ =	shalt  }
0x5a: {  	_ =	shalt  }
0x5b: {  	_ =	shalt  }
0x5c: {  	_ =	shalt  }
0x5d: {  	_ =	shalt  }
0x5e: {  	_ =	shalt  }
0x5f: {  	_ =	shalt  }
0x60: {  	_ =	shalt  }
0x61: {  	_ =	shalt  }
0x62: {  	_ =	shalt  }
0x63: {  	_ =	shalt  }
0x64: {  	_ =	shalt  }
0x65: {  	_ =	shalt  }
0x66: {  	_ =	shalt  }
0x67: {  	_ =	shalt  }
0x68: {  	_ =	shalt  }
0x69: {  	_ =	shalt  }
0x6a: {  	_ =	shalt  }
0x6b: {  	_ =	shalt  }
0x6c: {  	_ =	shalt  }
0x6d: {  	_ =	shalt  }
0x6e: {  	_ =	shalt  }
0x6f: {  	_ =	shalt  }
0x70: {  	_ =	shalt  }
0x71: {  	_ =	shalt  }
0x72: {  	_ =	shalt  }
0x73: {  	_ =	shalt  }
0x74: {  	_ =	shalt  }
0x75: {  	_ =	shalt  }
0x76: {  	_ =	shalt  }
0x77: {  	_ =	shalt  }
0x78: {  	_ =	shalt  }
0x79: {  	_ =	shalt  }
0x7a: {  	_ =	shalt  }
0x7b: {  	_ =	shalt  }
0x7c: {  	_ =	shalt  }
0x7d: {  	_ =	shalt  }
0x7e: {  	_ =	shalt  }
0x7f: {  	_ =	shalt  }
0x80: {  	_ =	shalt  }
0x81: {  	_ =	shalt  }
0x82: {  	_ =	shalt  }
0x83: {  	_ =	shalt  }
0x84: {  	_ =	shalt  }
0x85: {  	_ =	shalt  }
0x86: {  	_ =	shalt  }
0x87: {  	_ =	shalt  }
.Lfunc_end0:
.L_simem_size_0:
called_computation_lowered:
.L_overlay_start_0:
0x88: {  	s2 =	sld [smem:$0x3FD9]  }
0x89: {  	s3 =	sld [smem:$0x3FFE];
	_ =	sdelay $0x1  }
0x8a: {  	s1 =	srdreg.scid  }
0x8b: {  	s0 =	sand.u32 $0x1, s1  }
0x8c: {  	s17 =	sshll.u32 s0, $0xA;
	s2 =	sadd.s32 s3, s2  }
0x8d: {  	s2 =	sadd.s32 s2, s17  }
0x8e: {  	[smem:$0x3FC0] =	sst s2  }
0x8f: {  	_ = 	snop  }
0x90: {  	s2 =	sld [smem:$0x3FC6];
	(tm) =	ssettm $0x1  }
0x91: {  	s18 =	sld [smem:$0x3FFB];
	_ =	sdelay $0x3  }
0x92: {  	_ =	strace s18  }
0x93: {  	s3 =	sld [smem:$0x3FFC];
	_ =	sdelay $0x3  }
0x94: {  	_ =	strace s3  }
0x95: {  	s3 =	sld [smem:$0x3FFD];
	_ =	sdelay $0x3  }
0x96: {  	_ =	strace s3  }
0x97: {  	_ =	strace $0x8FFFFFFF  }
0x98: {  	s19 =	sld [smem:$0x3FDB];
	_ =	sdelay $0x1  }
0x99: {  	s4 =	simm.s32 $_scs_section_size  }
0x9a: {  	s5 =	simm.s32 $_size__tile_overlayer_lowered;
	s6 =	simm.s32 $_tile_overlayer_lowered  }
0x9b: {  	s22 =	simm.s32 $0x1BFF;
	s21 =	sshll.u32 s6, $0x1;
	s3 =	sadd.s32 s4, s19  }
0x9c: {  	s7 =	simm.s32 $0x0;
	s20 =	sshll.u32 s5, $0x1;
	s5 =	sadd.s32 s21, s3  }
0x9d: {  	[timem:s7], [sflag:s22] =	dma.local [hbm:s5], s20  }
0x9e: {  	_ =	swait.ge [sflag:s22], s20  }
0x9f: {  	s4 =	ssub.s32 $0x0, s20;
	[sflag:s22] =	ssyncset.done $0x0  }
0xa0: {  	[sflag:s22] =	ssyncadd.s32 s4;
	_ =	sdelay $0x1  }
0xa1: {  	s23 =	simm.s32 $0x1B8B  }
0xa2: {  	_ =	swait.ge [sflag:s23], $0x1  }
0xa3: {  	[sflag:s23] =	ssyncset.done $0x0  }
0xa4: {  	s25 =	simm.s32 $0x1B8E;
	s24 =	sld [smem:$0x3FFE];
	[sflag:s23] =	ssyncadd.s32 $0xFFFFFFFF  }
0xa5: {  	s26 =	simm.s32 $execute0_lowered;
	[smem:$0x3FD2] =	sst s25  }
0xa6: {  	s5 =	sshll.u32 s26, $0x1;
	_ =	strace $0x80000046;
	[dreg:$0x1] =	wrdreg $0xFFFFFFFF  }
0xa7: {  	s28 =	simm.s32 $_size_execute0_lowered;
	s3 =	sadd.s32 s3, s5;
	[dreg:$0x0] =	wrdreg $0x0  }
0xa8: {  	s5 =	sshll.u32 s28, $0x1;
	[dreg:$0x2] =	wrdreg s3  }
0xa9: {  	[dreg:$0x3] =	wrdreg s5  }
0xaa: {  	[dreg:$0x4] =	wrdreg $0xC0  }
0xab: {  	_ =	task [dreg:s7], $0x5FFFF  }
0xac: {  	[dreg:$0x1] =	wrdreg $0xFFFFFFFF  }
0xad: {  	[dreg:$0x0] =	wrdreg $0x60  }
0xae: {  	[dreg:$0x2] =	wrdreg s2  }
0xaf: {  	[dreg:$0x3] =	wrdreg s24  }
0xb0: {  	[dreg:$0x4] =	wrdreg $0x9  }
0xb1: {  	_ =	task.clear_ibuf [dreg:s7], $0x5FFFF;
	_ =	strace $0x90000046  }
0xb2: {  	s29 =	simm.s32 $0x9;
	_ =	strace $0x80000048  }
0xb3: {  	_ =	swait.ge [sflag:s29], $0x1  }
0xb4: {  	[sflag:s29] =	ssyncadd.s32 $0xFFFFFFFF  }
0xb5: {  	_ =	strace $0x90000048  }
0xb6: {  	_ =	sfence  }
0xb7: {  	s30 =	sld [smem:$0x0];
	_ =	sdelay $0x2  }
0xb8: {  	s31 =	sshll.u32 s1, $0xD;
	s1 =	sshrl.u32 s1, $0x2  }
0xb9: {  	s3 =	sand.u32 $0x4000, s31;
	s1 =	sadd.s32 s1, s30  }
0xba: {  	s0 =	sor.u32 s3, s0;
	s1 =	sshll.u32 s1, $0x11  }
0xbb: {  	s0 =	sor.u32 s1, s0  }
0xbc: {  	s0 =	sadd.s32 $0x8F2B, s0  }
0xbd: {  	[sflag:s0] =	ssyncadd.remote.s32 $0x1  }
0xbe: {  	_ =	sfence.sel $0xFFFF  }
0xbf: {  	[dreg:$0x0] =	wrdreg $0xFFFFFFFF;
	(pc) =	sbr.abs _section_cstart, $3  }
0xc0: {  	[dreg:$0x1] =	wrdreg $0xFFFFFFFF  }
0xc1: {  	_ =	task.clear_ibuf [dreg:s7], $0x2FFFF;
	_ =	strace $0x9FFFFFFF  }
0xc2: {  	(tm) =	ssettm $0x7FFFFFFF  }
0xc3: {  	_ =	shalt  }
tec
execute0_lowered:
.L_overlay_start_1:
0x0: {  	(tag) =	ssettag $0x1  }
0x1: {  	s2 =	rddreg [dreg:$0x0]  }
0x2: {  	s0 =	rddreg [dreg:$0x1]  }
0x3: {  	s3 =	srdreg.scid;
	s1 =	stileid.u32  }
0x4: {  	s28 =	simm.s32 $0x80;
	s29 =	simm.s32 $0x880;
	s30 =	simm.s32 $0x1080  }
0x5: {  	s31 =	simm.s32 $0x1880;
	s4 =	sand.u32 $0x1, s3;
	s3 =	simm.s32 $0x0  }
0x6: {  	s5 =	sshll.u32 s1, $0x9;
	s13 =	sadd.s32 $0x1400, s0;
	s0 =	sadd.s32 $0x1800, s0  }
0x7: {  	s6 =	sshll.u32 s4, $0x8;
	[smem:$0x7FF] =	sst s3;
	s4 =	ssub.s32 $0x2, s4  }
0x8: {  	s11 =	sor.u32 s6, s5;
	_ =	strace $0x80000047;
	s1 =	sshrl.u32 s4, $0x1  }
0x9: {  	s5 =	sshrl.u32 s11, $0x3;
	s6 =	sshll.u32 s11, $0x6;
	s19 =	sor.u32 $0x10, s11  }
0xa: {  	s7 =	sor.u32 $0x20, s11;
	s26 =	sor.u32 $0x30, s11;
	s16 =	sor.u32 $0x50, s11  }
0xb: {  	s5 =	sadd.s32 s13, s5;
	s18 =	sadd.s32 s0, s6;
	s20 =	sshrl.u32 s19, $0x3  }
0xc: {  	s6 =	sshll.u32 s19, $0x6;
	s22 =	sshrl.u32 s7, $0x3;
	[dreg:$0x3] =	wrdreg s5  }
0xd: {  	s24 =	sshll.u32 s7, $0x6;
	[dreg:$0x4] =	wrdreg s18;
	s5 =	sadd.s32 s13, s20  }
0xe: {  	s8 =	sshrl.u32 s26, $0x3;
	s21 =	sadd.s32 s0, s6;
	[dreg:$0x5] =	wrdreg s5  }
0xf: {  	s17 =	sshrl.u32 s16, $0x3;
	s23 =	sadd.s32 s13, s22;
	[dreg:$0x6] =	wrdreg s21  }
0x10: {  	s25 =	sadd.s32 s0, s24;
	s6 =	sshll.u32 s26, $0x6;
	[dreg:$0x7] =	wrdreg s23  }
0x11: {  	s18 =	sshll.u32 s16, $0x6;
	s16 =	sor.u32 $0x80, s11;
	[dreg:$0x8] =	wrdreg s25  }
0x12: {  	s5 =	sadd.s32 s13, s8;
	s8 =	sor.u32 $0x40, s11;
	s9 =	sadd.s32 s0, s6  }
0x13: {  	s25 =	ssub.s32 s4, s1;
	s4 =	sadd.s32 s13, s17;
	s19 =	sadd.s32 s0, s18  }
0x14: {  	s17 =	sor.u32 $0x90, s11;
	s22 =	sshrl.u32 s16, $0x3;
	[dreg:$0x9] =	wrdreg s5  }
0x15: {  	s18 =	sor.u32 $0xA0, s11;
	s16 =	sshll.u32 s16, $0x6;
	[dreg:$0xa] =	wrdreg s9  }
0x16: {  	s10 =	sshrl.u32 s8, $0x3;
	s14 =	sshll.u32 s8, $0x6;
	[dreg:$0xd] =	wrdreg s4  }
0x17: {  	[dreg:$0xe] =	wrdreg s19;
	s23 =	sshrl.u32 s17, $0x3;
	s6 =	sadd.s32 s13, s22  }
0x18: {  	s24 =	sshrl.u32 s18, $0x3;
	s19 =	sor.u32 $0xB0, s11;
	s22 =	sor.u32 $0xE0, s11  }
0x19: {  	s16 =	sadd.s32 s0, s16;
	s17 =	sshll.u32 s17, $0x6;
	s18 =	sshll.u32 s18, $0x6  }
0x1a: {  	s25 =	smax.u32 s25, $0x1;
	s12 =	sadd.s32 s13, s10;
	s15 =	sadd.s32 s0, s14  }
0x1b: {  	s14 =	sor.u32 $0x60, s11;
	s7 =	sadd.s32 s13, s23;
	s8 =	sadd.s32 s13, s24  }
0x1c: {  	s9 =	sshrl.u32 s19, $0x3;
	s23 =	sor.u32 $0xF0, s11;
	s26 =	sshrl.u32 s22, $0x3  }
0x1d: {  	s17 =	sadd.s32 s0, s17;
	s19 =	sshll.u32 s19, $0x6;
	[dreg:$0xb] =	wrdreg s12  }
0x1e: {  	s18 =	sadd.s32 s0, s18;
	s22 =	sshll.u32 s22, $0x6;
	[dreg:$0xc] =	wrdreg s15  }
0x1f: {  	s20 =	sshrl.u32 s14, $0x3;
	s15 =	sor.u32 $0x70, s11;
	s9 =	sadd.s32 s13, s9  }
0x20: {  	s24 =	sshrl.u32 s23, $0x3;
	s14 =	sshll.u32 s14, $0x6;
	s19 =	sadd.s32 s0, s19  }
0x21: {  	s22 =	sadd.s32 s0, s22;
	s23 =	sshll.u32 s23, $0x6;
	s4 =	sadd.s32 s13, s20  }
0x22: {  	s21 =	sshrl.u32 s15, $0x3;
	s20 =	sor.u32 $0xC0, s11;
	s14 =	sadd.s32 s0, s14  }
0x23: {  	s15 =	sshll.u32 s15, $0x6;
	s23 =	sadd.s32 s0, s23;
	s5 =	sadd.s32 s13, s21  }
0x24: {  	s10 =	sshrl.u32 s20, $0x3;
	s21 =	sor.u32 $0xD0, s11;
	s15 =	sadd.s32 s0, s15  }
0x25: {  	s20 =	sshll.u32 s20, $0x6;
	s10 =	sadd.s32 s13, s10;
	s12 =	sshrl.u32 s21, $0x3  }
0x26: {  	v2 =	vlaneseq.u32;
	s20 =	sadd.s32 s0, s20;
	s21 =	sshll.u32 s21, $0x6;
	s11 =	sadd.s32 s13, s12  }
0x27: {  	vm0 =	vmmov $0xffff;
	v1 =	vshrl.u32 v2, $0x3;
	s12 =	sadd.s32 s13, s26;
	s13 =	sadd.s32 s13, s24;
	s21 =	sadd.s32 s0, s21  }
0x28: {  	v0 =	vand.u32 $0x7, v2;
	v2 =	vor.u32 $0x8, v2;
	v1 =	vmul.u32 $0x8, v1;
	s24 =	sadd.s32 $0x100, s2;
	s26 =	simm.s32 $0x2;
	s0 =	simm.s32 $0x1  }
.LBB2_1:
0x29: {  	s1 =	rddreg [dreg:$0x3]  }
0x2a: {  	[tilespmem:s3], [sflag:$0x2] =	stream.linear.gather [hbm4b:s1+s3], $0x10, $0x38;
	[tilespmem:$0x2080] =	vst v63  }
0x2b: {  	_ =	swait.ge [sflag:s26], $0x10  }
0x2c: {  	[sflag:s26] =	ssyncset.done $0x0  }
0x2d: {  	[sflag:s26] =	ssyncadd.s32 $0xFFFFFFF0  }
0x2e: {  	v3 =	vld [tilespmem:$0x0];
	_ =	sdelay $0x4  }
0x2f: {  	v4 =	vshll.u32 v3, $0x2  }
0x30: {  	v3 =	vand.u32 $0x7, v3;
	v4 =	vand.u32 $0xFFFFFFE0, v4  }
0x31: {  	v3 =	vor.u32 v3, v4  }
0x32: {  	v4 =	vperm.xlane v3, v0;
	_ =	sdelay $0x1  }
0x33: {  	v4 =	vadd.s32 v1, v4;
	_ =	sdelay $0x1  }
0x34: {  	v3 =	vperm.xlane v3, v2;
	_ =	sdelay $0x1  }
0x35: {  	v3 =	vadd.s32 v1, v3  }
0x36: {  	[tilespmem:s28], [sflag:$0x1] =	stream.indirect_vreg.gather [hbm4b:s2+s3], $0x80, v4, vm0, $0xb8;
	[tilespmem:$0x2080] =	vst v63  }
0x37: {  	_ = 	snop  }
0x38: {  	[tilespmem:s29], [sflag:$0x1] =	stream.indirect_vreg.gather [hbm4b:s24+s3], $0x80, v4, vm0, $0xb8;
	[tilespmem:$0x2080] =	vst v63  }
0x39: {  	_ = 	snop  }
0x3a: {  	[tilespmem:s30], [sflag:$0x1] =	stream.indirect_vreg.gather [hbm4b:s2+s3], $0x80, v3, vm0, $0xb8;
	[tilespmem:$0x2080] =	vst v63  }
0x3b: {  	_ = 	snop  }
0x3c: {  	[tilespmem:s31], [sflag:$0x1] =	stream.indirect_vreg.gather [hbm4b:s24+s3], $0x80, v3, vm0, $0xb8;
	[tilespmem:$0x2080] =	vst v63  }
0x3d: {  	_ =	swait.ge [sflag:s0], $0x2000  }
0x3e: {  	[sflag:s0] =	ssyncset.done $0x0  }
0x3f: {  	s1 =	rddreg [dreg:$0x4];
	[sflag:s0] =	ssyncadd.s32 $0xFFFFE000  }
0x40: {  	[hbm4b:s1+s3] =	stream.linear.scatter [tilespmem:s28], [sflag:$0x2], $0x2000, $0x38;
	[tilespmem:$0x2080] =	vst v63  }
0x41: {  	_ =	swait.ge [sflag:s26], $0x2000  }
0x42: {  	[sflag:s26] =	ssyncset.done $0x0  }
0x43: {  	s1 =	rddreg [dreg:$0x5];
	[sflag:s26] =	ssyncadd.s32 $0xFFFFE000  }
0x44: {  	[tilespmem:s3], [sflag:$0x2] =	stream.linear.gather [hbm4b:s1+s3], $0x10, $0x38;
	[tilespmem:$0x2080] =	vst v63  }
0x45: {  	_ =	swait.ge [sflag:s26], $0x10  }
0x46: {  	[sflag:s26] =	ssyncset.done $0x0  }
0x47: {  	[sflag:s26] =	ssyncadd.s32 $0xFFFFFFF0  }
0x48: {  	v3 =	vld [tilespmem:$0x0];
	_ =	sdelay $0x4  }
0x49: {  	v49 =	vshll.u32 v3, $0x2  }
0x4a: {  	v3 =	vand.u32 $0x7, v3;
	v4 =	vand.u32 $0xFFFFFFE0, v49  }
0x4b: {  	v3 =	vor.u32 v3, v4  }
0x4c: {  	v4 =	vperm.xlane v3, v0;
	_ =	sdelay $0x1  }
0x4d: {  	v4 =	vadd.s32 v1, v4;
	_ =	sdelay $0x1  }
0x4e: {  	v3 =	vperm.xlane v3, v2;
	_ =	sdelay $0x1  }
0x4f: {  	v3 =	vadd.s32 v1, v3  }
0x50: {  	[tilespmem:s28], [sflag:$0x1] =	stream.indirect_vreg.gather [hbm4b:s2+s3], $0x80, v4, vm0, $0xb8;
	[tilespmem:$0x2080] =	vst v63  }
0x51: {  	_ = 	snop  }
0x52: {  	[tilespmem:s29], [sflag:$0x1] =	stream.indirect_vreg.gather [hbm4b:s24+s3], $0x80, v4, vm0, $0xb8;
	[tilespmem:$0x2080] =	vst v63  }
0x53: {  	_ = 	snop  }
0x54: {  	[tilespmem:s30], [sflag:$0x1] =	stream.indirect_vreg.gather [hbm4b:s2+s3], $0x80, v3, vm0, $0xb8;
	[tilespmem:$0x2080] =	vst v63  }
0x55: {  	_ = 	snop  }
0x56: {  	[tilespmem:s31], [sflag:$0x1] =	stream.indirect_vreg.gather [hbm4b:s24+s3], $0x80, v3, vm0, $0xb8;
	[tilespmem:$0x2080] =	vst v63  }
0x57: {  	_ =	swait.ge [sflag:s0], $0x2000  }
0x58: {  	[sflag:s0] =	ssyncset.done $0x0  }
0x59: {  	s1 =	rddreg [dreg:$0x6];
	[sflag:s0] =	ssyncadd.s32 $0xFFFFE000  }
0x5a: {  	[hbm4b:s1+s3] =	stream.linear.scatter [tilespmem:s28], [sflag:$0x2], $0x2000, $0x38;
	[tilespmem:$0x2080] =	vst v63  }
0x5b: {  	_ =	swait.ge [sflag:s26], $0x2000  }
0x5c: {  	[sflag:s26] =	ssyncset.done $0x0  }
0x5d: {  	s1 =	rddreg [dreg:$0x7];
	[sflag:s26] =	ssyncadd.s32 $0xFFFFE000  }
0x5e: {  	[tilespmem:s3], [sflag:$0x2] =	stream.linear.gather [hbm4b:s1+s3], $0x10, $0x38;
	[tilespmem:$0x2080] =	vst v63  }
0x5f: {  	_ =	swait.ge [sflag:s26], $0x10  }
0x60: {  	[sflag:s26] =	ssyncset.done $0x0  }
0x61: {  	[sflag:s26] =	ssyncadd.s32 $0xFFFFFFF0  }
0x62: {  	v3 =	vld [tilespmem:$0x0];
	_ =	sdelay $0x4  }
0x63: {  	v50 =	vshll.u32 v3, $0x2  }
0x64: {  	v3 =	vand.u32 $0x7, v3;
	v4 =	vand.u32 $0xFFFFFFE0, v50  }
0x65: {  	v3 =	vor.u32 v3, v4  }
0x66: {  	v4 =	vperm.xlane v3, v0;
	_ =	sdelay $0x1  }
0x67: {  	v4 =	vadd.s32 v1, v4;
	_ =	sdelay $0x1  }
0x68: {  	v3 =	vperm.xlane v3, v2;
	_ =	sdelay $0x1  }
0x69: {  	v3 =	vadd.s32 v1, v3  }
0x6a: {  	[tilespmem:s28], [sflag:$0x1] =	stream.indirect_vreg.gather [hbm4b:s2+s3], $0x80, v4, vm0, $0xb8;
	[tilespmem:$0x2080] =	vst v63  }
0x6b: {  	_ = 	snop  }
0x6c: {  	[tilespmem:s29], [sflag:$0x1] =	stream.indirect_vreg.gather [hbm4b:s24+s3], $0x80, v4, vm0, $0xb8;
	[tilespmem:$0x2080] =	vst v63  }
0x6d: {  	_ = 	snop  }
0x6e: {  	[tilespmem:s30], [sflag:$0x1] =	stream.indirect_vreg.gather [hbm4b:s2+s3], $0x80, v3, vm0, $0xb8;
	[tilespmem:$0x2080] =	vst v63  }
0x6f: {  	_ = 	snop  }
0x70: {  	[tilespmem:s31], [sflag:$0x1] =	stream.indirect_vreg.gather [hbm4b:s24+s3], $0x80, v3, vm0, $0xb8;
	[tilespmem:$0x2080] =	vst v63  }
0x71: {  	_ =	swait.ge [sflag:s0], $0x2000  }
0x72: {  	[sflag:s0] =	ssyncset.done $0x0  }
0x73: {  	s1 =	rddreg [dreg:$0x8];
	[sflag:s0] =	ssyncadd.s32 $0xFFFFE000  }
0x74: {  	[hbm4b:s1+s3] =	stream.linear.scatter [tilespmem:s28], [sflag:$0x2], $0x2000, $0x38;
	[tilespmem:$0x2080] =	vst v63  }
0x75: {  	_ =	swait.ge [sflag:s26], $0x2000  }
0x76: {  	[sflag:s26] =	ssyncset.done $0x0  }
0x77: {  	s1 =	rddreg [dreg:$0x9];
	[sflag:s26] =	ssyncadd.s32 $0xFFFFE000  }
0x78: {  	[tilespmem:s3], [sflag:$0x2] =	stream.linear.gather [hbm4b:s1+s3], $0x10, $0x38;
	[tilespmem:$0x2080] =	vst v63  }
0x79: {  	_ =	swait.ge [sflag:s26], $0x10  }
0x7a: {  	[sflag:s26] =	ssyncset.done $0x0  }
0x7b: {  	[sflag:s26] =	ssyncadd.s32 $0xFFFFFFF0  }
0x7c: {  	v3 =	vld [tilespmem:$0x0];
	_ =	sdelay $0x4  }
0x7d: {  	v51 =	vshll.u32 v3, $0x2  }
0x7e: {  	v3 =	vand.u32 $0x7, v3;
	v4 =	vand.u32 $0xFFFFFFE0, v51  }
0x7f: {  	v3 =	vor.u32 v3, v4  }
0x80: {  	v4 =	vperm.xlane v3, v0;
	_ =	sdelay $0x1  }
0x81: {  	v4 =	vadd.s32 v1, v4;
	_ =	sdelay $0x1  }
0x82: {  	v3 =	vperm.xlane v3, v2;
	_ =	sdelay $0x1  }
0x83: {  	v3 =	vadd.s32 v1, v3  }
0x84: {  	[tilespmem:s28], [sflag:$0x1] =	stream.indirect_vreg.gather [hbm4b:s2+s3], $0x80, v4, vm0, $0xb8;
	[tilespmem:$0x2080] =	vst v63  }
0x85: {  	_ = 	snop  }
0x86: {  	[tilespmem:s29], [sflag:$0x1] =	stream.indirect_vreg.gather [hbm4b:s24+s3], $0x80, v4, vm0, $0xb8;
	[tilespmem:$0x2080] =	vst v63  }
0x87: {  	_ = 	snop  }
0x88: {  	[tilespmem:s30], [sflag:$0x1] =	stream.indirect_vreg.gather [hbm4b:s2+s3], $0x80, v3, vm0, $0xb8;
	[tilespmem:$0x2080] =	vst v63  }
0x89: {  	_ = 	snop  }
0x8a: {  	[tilespmem:s31], [sflag:$0x1] =	stream.indirect_vreg.gather [hbm4b:s24+s3], $0x80, v3, vm0, $0xb8;
	[tilespmem:$0x2080] =	vst v63  }
0x8b: {  	_ =	swait.ge [sflag:s0], $0x2000  }
0x8c: {  	[sflag:s0] =	ssyncset.done $0x0  }
0x8d: {  	s1 =	rddreg [dreg:$0xa];
	[sflag:s0] =	ssyncadd.s32 $0xFFFFE000  }
0x8e: {  	[hbm4b:s1+s3] =	stream.linear.scatter [tilespmem:s28], [sflag:$0x2], $0x2000, $0x38;
	[tilespmem:$0x2080] =	vst v63  }
0x8f: {  	_ =	swait.ge [sflag:s26], $0x2000  }
0x90: {  	[sflag:s26] =	ssyncset.done $0x0  }
0x91: {  	s1 =	rddreg [dreg:$0xb];
	[sflag:s26] =	ssyncadd.s32 $0xFFFFE000  }
0x92: {  	[tilespmem:s3], [sflag:$0x2] =	stream.linear.gather [hbm4b:s1+s3], $0x10, $0x38;
	[tilespmem:$0x2080] =	vst v63  }
0x93: {  	_ =	swait.ge [sflag:s26], $0x10  }
0x94: {  	[sflag:s26] =	ssyncset.done $0x0  }
0x95: {  	[sflag:s26] =	ssyncadd.s32 $0xFFFFFFF0  }
0x96: {  	v3 =	vld [tilespmem:$0x0];
	_ =	sdelay $0x4  }
0x97: {  	v52 =	vshll.u32 v3, $0x2  }
0x98: {  	v3 =	vand.u32 $0x7, v3;
	v4 =	vand.u32 $0xFFFFFFE0, v52  }
0x99: {  	v3 =	vor.u32 v3, v4  }
0x9a: {  	v4 =	vperm.xlane v3, v0;
	_ =	sdelay $0x1  }
0x9b: {  	v4 =	vadd.s32 v1, v4;
	_ =	sdelay $0x1  }
0x9c: {  	v3 =	vperm.xlane v3, v2;
	_ =	sdelay $0x1  }
0x9d: {  	v3 =	vadd.s32 v1, v3  }
0x9e: {  	[tilespmem:s28], [sflag:$0x1] =	stream.indirect_vreg.gather [hbm4b:s2+s3], $0x80, v4, vm0, $0xb8;
	[tilespmem:$0x2080] =	vst v63  }
0x9f: {  	_ = 	snop  }
0xa0: {  	[tilespmem:s29], [sflag:$0x1] =	stream.indirect_vreg.gather [hbm4b:s24+s3], $0x80, v4, vm0, $0xb8;
	[tilespmem:$0x2080] =	vst v63  }
0xa1: {  	_ = 	snop  }
0xa2: {  	[tilespmem:s30], [sflag:$0x1] =	stream.indirect_vreg.gather [hbm4b:s2+s3], $0x80, v3, vm0, $0xb8;
	[tilespmem:$0x2080] =	vst v63  }
0xa3: {  	_ = 	snop  }
0xa4: {  	[tilespmem:s31], [sflag:$0x1] =	stream.indirect_vreg.gather [hbm4b:s24+s3], $0x80, v3, vm0, $0xb8;
	[tilespmem:$0x2080] =	vst v63  }
0xa5: {  	_ =	swait.ge [sflag:s0], $0x2000  }
0xa6: {  	[sflag:s0] =	ssyncset.done $0x0  }
0xa7: {  	s1 =	rddreg [dreg:$0xc];
	[sflag:s0] =	ssyncadd.s32 $0xFFFFE000  }
0xa8: {  	[hbm4b:s1+s3] =	stream.linear.scatter [tilespmem:s28], [sflag:$0x2], $0x2000, $0x38;
	[tilespmem:$0x2080] =	vst v63  }
0xa9: {  	_ =	swait.ge [sflag:s26], $0x2000  }
0xaa: {  	[sflag:s26] =	ssyncset.done $0x0  }
0xab: {  	s1 =	rddreg [dreg:$0xd];
	[sflag:s26] =	ssyncadd.s32 $0xFFFFE000  }
0xac: {  	[tilespmem:s3], [sflag:$0x2] =	stream.linear.gather [hbm4b:s1+s3], $0x10, $0x38;
	[tilespmem:$0x2080] =	vst v63  }
0xad: {  	_ =	swait.ge [sflag:s26], $0x10  }
0xae: {  	[sflag:s26] =	ssyncset.done $0x0  }
0xaf: {  	[sflag:s26] =	ssyncadd.s32 $0xFFFFFFF0  }
0xb0: {  	v3 =	vld [tilespmem:$0x0];
	_ =	sdelay $0x4  }
0xb1: {  	v53 =	vshll.u32 v3, $0x2  }
0xb2: {  	v3 =	vand.u32 $0x7, v3;
	v4 =	vand.u32 $0xFFFFFFE0, v53  }
0xb3: {  	v3 =	vor.u32 v3, v4  }
0xb4: {  	v4 =	vperm.xlane v3, v0;
	_ =	sdelay $0x1  }
0xb5: {  	v4 =	vadd.s32 v1, v4;
	_ =	sdelay $0x1  }
0xb6: {  	v3 =	vperm.xlane v3, v2;
	_ =	sdelay $0x1  }
0xb7: {  	v3 =	vadd.s32 v1, v3  }
0xb8: {  	[tilespmem:s28], [sflag:$0x1] =	stream.indirect_vreg.gather [hbm4b:s2+s3], $0x80, v4, vm0, $0xb8;
	[tilespmem:$0x2080] =	vst v63  }
0xb9: {  	_ = 	snop  }
0xba: {  	[tilespmem:s29], [sflag:$0x1] =	stream.indirect_vreg.gather [hbm4b:s24+s3], $0x80, v4, vm0, $0xb8;
	[tilespmem:$0x2080] =	vst v63  }
0xbb: {  	_ = 	snop  }
0xbc: {  	[tilespmem:s30], [sflag:$0x1] =	stream.indirect_vreg.gather [hbm4b:s2+s3], $0x80, v3, vm0, $0xb8;
	[tilespmem:$0x2080] =	vst v63  }
0xbd: {  	_ = 	snop  }
0xbe: {  	[tilespmem:s31], [sflag:$0x1] =	stream.indirect_vreg.gather [hbm4b:s24+s3], $0x80, v3, vm0, $0xb8;
	[tilespmem:$0x2080] =	vst v63  }
0xbf: {  	_ =	swait.ge [sflag:s0], $0x2000  }
0xc0: {  	[sflag:s0] =	ssyncset.done $0x0  }
0xc1: {  	s1 =	rddreg [dreg:$0xe];
	[sflag:s0] =	ssyncadd.s32 $0xFFFFE000  }
0xc2: {  	[hbm4b:s1+s3] =	stream.linear.scatter [tilespmem:s28], [sflag:$0x2], $0x2000, $0x38;
	[tilespmem:$0x2080] =	vst v63  }
0xc3: {  	_ =	swait.ge [sflag:s26], $0x2000  }
0xc4: {  	[sflag:s26] =	ssyncset.done $0x0  }
0xc5: {  	[sflag:s26] =	ssyncadd.s32 $0xFFFFE000  }
0xc6: {  	[tilespmem:s3], [sflag:$0x2] =	stream.linear.gather [hbm4b:s4+s3], $0x10, $0x38;
	[tilespmem:$0x2080] =	vst v63  }
0xc7: {  	_ =	swait.ge [sflag:s26], $0x10  }
0xc8: {  	[sflag:s26] =	ssyncset.done $0x0  }
0xc9: {  	[sflag:s26] =	ssyncadd.s32 $0xFFFFFFF0  }
0xca: {  	v3 =	vld [tilespmem:$0x0];
	_ =	sdelay $0x4  }
0xcb: {  	v54 =	vshll.u32 v3, $0x2  }
0xcc: {  	v3 =	vand.u32 $0x7, v3;
	v4 =	vand.u32 $0xFFFFFFE0, v54  }
0xcd: {  	v3 =	vor.u32 v3, v4  }
0xce: {  	v4 =	vperm.xlane v3, v0;
	_ =	sdelay $0x1  }
0xcf: {  	v4 =	vadd.s32 v1, v4;
	_ =	sdelay $0x1  }
0xd0: {  	v3 =	vperm.xlane v3, v2;
	_ =	sdelay $0x1  }
0xd1: {  	v3 =	vadd.s32 v1, v3  }
0xd2: {  	[tilespmem:s28], [sflag:$0x1] =	stream.indirect_vreg.gather [hbm4b:s2+s3], $0x80, v4, vm0, $0xb8;
	[tilespmem:$0x2080] =	vst v63  }
0xd3: {  	_ = 	snop  }
0xd4: {  	[tilespmem:s29], [sflag:$0x1] =	stream.indirect_vreg.gather [hbm4b:s24+s3], $0x80, v4, vm0, $0xb8;
	[tilespmem:$0x2080] =	vst v63  }
0xd5: {  	_ = 	snop  }
0xd6: {  	[tilespmem:s30], [sflag:$0x1] =	stream.indirect_vreg.gather [hbm4b:s2+s3], $0x80, v3, vm0, $0xb8;
	[tilespmem:$0x2080] =	vst v63  }
0xd7: {  	_ = 	snop  }
0xd8: {  	[tilespmem:s31], [sflag:$0x1] =	stream.indirect_vreg.gather [hbm4b:s24+s3], $0x80, v3, vm0, $0xb8;
	[tilespmem:$0x2080] =	vst v63  }
0xd9: {  	_ =	swait.ge [sflag:s0], $0x2000  }
0xda: {  	[sflag:s0] =	ssyncset.done $0x0  }
0xdb: {  	[sflag:s0] =	ssyncadd.s32 $0xFFFFE000  }
0xdc: {  	[hbm4b:s14+s3] =	stream.linear.scatter [tilespmem:s28], [sflag:$0x2], $0x2000, $0x38;
	[tilespmem:$0x2080] =	vst v63  }
0xdd: {  	_ =	swait.ge [sflag:s26], $0x2000  }
0xde: {  	[sflag:s26] =	ssyncset.done $0x0  }
0xdf: {  	[sflag:s26] =	ssyncadd.s32 $0xFFFFE000  }
0xe0: {  	[tilespmem:s3], [sflag:$0x2] =	stream.linear.gather [hbm4b:s5+s3], $0x10, $0x38;
	[tilespmem:$0x2080] =	vst v63  }
0xe1: {  	_ =	swait.ge [sflag:s26], $0x10  }
0xe2: {  	[sflag:s26] =	ssyncset.done $0x0  }
0xe3: {  	[sflag:s26] =	ssyncadd.s32 $0xFFFFFFF0  }
0xe4: {  	v3 =	vld [tilespmem:$0x0];
	_ =	sdelay $0x4  }
0xe5: {  	v55 =	vshll.u32 v3, $0x2  }
0xe6: {  	v3 =	vand.u32 $0x7, v3;
	v4 =	vand.u32 $0xFFFFFFE0, v55  }
0xe7: {  	v3 =	vor.u32 v3, v4  }
0xe8: {  	v4 =	vperm.xlane v3, v0;
	_ =	sdelay $0x1  }
0xe9: {  	v4 =	vadd.s32 v1, v4;
	_ =	sdelay $0x1  }
0xea: {  	v3 =	vperm.xlane v3, v2;
	_ =	sdelay $0x1  }
0xeb: {  	v3 =	vadd.s32 v1, v3  }
0xec: {  	[tilespmem:s28], [sflag:$0x1] =	stream.indirect_vreg.gather [hbm4b:s2+s3], $0x80, v4, vm0, $0xb8;
	[tilespmem:$0x2080] =	vst v63  }
0xed: {  	_ = 	snop  }
0xee: {  	[tilespmem:s29], [sflag:$0x1] =	stream.indirect_vreg.gather [hbm4b:s24+s3], $0x80, v4, vm0, $0xb8;
	[tilespmem:$0x2080] =	vst v63  }
0xef: {  	_ = 	snop  }
0xf0: {  	[tilespmem:s30], [sflag:$0x1] =	stream.indirect_vreg.gather [hbm4b:s2+s3], $0x80, v3, vm0, $0xb8;
	[tilespmem:$0x2080] =	vst v63  }
0xf1: {  	_ = 	snop  }
0xf2: {  	[tilespmem:s31], [sflag:$0x1] =	stream.indirect_vreg.gather [hbm4b:s24+s3], $0x80, v3, vm0, $0xb8;
	[tilespmem:$0x2080] =	vst v63  }
0xf3: {  	_ =	swait.ge [sflag:s0], $0x2000  }
0xf4: {  	[sflag:s0] =	ssyncset.done $0x0  }
0xf5: {  	[sflag:s0] =	ssyncadd.s32 $0xFFFFE000  }
0xf6: {  	[hbm4b:s15+s3] =	stream.linear.scatter [tilespmem:s28], [sflag:$0x2], $0x2000, $0x38;
	[tilespmem:$0x2080] =	vst v63  }
0xf7: {  	_ =	swait.ge [sflag:s26], $0x2000  }
0xf8: {  	[sflag:s26] =	ssyncset.done $0x0  }
0xf9: {  	[sflag:s26] =	ssyncadd.s32 $0xFFFFE000  }
0xfa: {  	[tilespmem:s3], [sflag:$0x2] =	stream.linear.gather [hbm4b:s6+s3], $0x10, $0x38;
	[tilespmem:$0x2080] =	vst v63  }
0xfb: {  	_ =	swait.ge [sflag:s26], $0x10  }
0xfc: {  	[sflag:s26] =	ssyncset.done $0x0  }
0xfd: {  	[sflag:s26] =	ssyncadd.s32 $0xFFFFFFF0  }
0xfe: {  	v3 =	vld [tilespmem:$0x0];
	_ =	sdelay $0x4  }
0xff: {  	v56 =	vshll.u32 v3, $0x2  }
0x100: {  	v3 =	vand.u32 $0x7, v3;
	v4 =	vand.u32 $0xFFFFFFE0, v56  }
0x101: {  	v3 =	vor.u32 v3, v4  }
0x102: {  	v4 =	vperm.xlane v3, v0;
	_ =	sdelay $0x1  }
0x103: {  	v4 =	vadd.s32 v1, v4;
	_ =	sdelay $0x1  }
0x104: {  	v3 =	vperm.xlane v3, v2;
	_ =	sdelay $0x1  }
0x105: {  	v3 =	vadd.s32 v1, v3  }
0x106: {  	[tilespmem:s28], [sflag:$0x1] =	stream.indirect_vreg.gather [hbm4b:s2+s3], $0x80, v4, vm0, $0xb8;
	[tilespmem:$0x2080] =	vst v63  }
0x107: {  	_ = 	snop  }
0x108: {  	[tilespmem:s29], [sflag:$0x1] =	stream.indirect_vreg.gather [hbm4b:s24+s3], $0x80, v4, vm0, $0xb8;
	[tilespmem:$0x2080] =	vst v63  }
0x109: {  	_ = 	snop  }
0x10a: {  	[tilespmem:s30], [sflag:$0x1] =	stream.indirect_vreg.gather [hbm4b:s2+s3], $0x80, v3, vm0, $0xb8;
	[tilespmem:$0x2080] =	vst v63  }
0x10b: {  	_ = 	snop  }
0x10c: {  	[tilespmem:s31], [sflag:$0x1] =	stream.indirect_vreg.gather [hbm4b:s24+s3], $0x80, v3, vm0, $0xb8;
	[tilespmem:$0x2080] =	vst v63  }
0x10d: {  	_ =	swait.ge [sflag:s0], $0x2000  }
0x10e: {  	[sflag:s0] =	ssyncset.done $0x0  }
0x10f: {  	[sflag:s0] =	ssyncadd.s32 $0xFFFFE000  }
0x110: {  	[hbm4b:s16+s3] =	stream.linear.scatter [tilespmem:s28], [sflag:$0x2], $0x2000, $0x38;
	[tilespmem:$0x2080] =	vst v63  }
0x111: {  	_ =	swait.ge [sflag:s26], $0x2000  }
0x112: {  	[sflag:s26] =	ssyncset.done $0x0  }
0x113: {  	[sflag:s26] =	ssyncadd.s32 $0xFFFFE000  }
0x114: {  	[tilespmem:s3], [sflag:$0x2] =	stream.linear.gather [hbm4b:s7+s3], $0x10, $0x38;
	[tilespmem:$0x2080] =	vst v63  }
0x115: {  	_ =	swait.ge [sflag:s26], $0x10  }
0x116: {  	[sflag:s26] =	ssyncset.done $0x0  }
0x117: {  	[sflag:s26] =	ssyncadd.s32 $0xFFFFFFF0  }
0x118: {  	v3 =	vld [tilespmem:$0x0];
	_ =	sdelay $0x4  }
0x119: {  	v57 =	vshll.u32 v3, $0x2  }
0x11a: {  	v3 =	vand.u32 $0x7, v3;
	v4 =	vand.u32 $0xFFFFFFE0, v57  }
0x11b: {  	v3 =	vor.u32 v3, v4  }
0x11c: {  	v4 =	vperm.xlane v3, v0;
	_ =	sdelay $0x1  }
0x11d: {  	v4 =	vadd.s32 v1, v4;
	_ =	sdelay $0x1  }
0x11e: {  	v3 =	vperm.xlane v3, v2;
	_ =	sdelay $0x1  }
0x11f: {  	v3 =	vadd.s32 v1, v3  }
0x120: {  	[tilespmem:s28], [sflag:$0x1] =	stream.indirect_vreg.gather [hbm4b:s2+s3], $0x80, v4, vm0, $0xb8;
	[tilespmem:$0x2080] =	vst v63  }
0x121: {  	_ = 	snop  }
0x122: {  	[tilespmem:s29], [sflag:$0x1] =	stream.indirect_vreg.gather [hbm4b:s24+s3], $0x80, v4, vm0, $0xb8;
	[tilespmem:$0x2080] =	vst v63  }
0x123: {  	_ = 	snop  }
0x124: {  	[tilespmem:s30], [sflag:$0x1] =	stream.indirect_vreg.gather [hbm4b:s2+s3], $0x80, v3, vm0, $0xb8;
	[tilespmem:$0x2080] =	vst v63  }
0x125: {  	_ = 	snop  }
0x126: {  	[tilespmem:s31], [sflag:$0x1] =	stream.indirect_vreg.gather [hbm4b:s24+s3], $0x80, v3, vm0, $0xb8;
	[tilespmem:$0x2080] =	vst v63  }
0x127: {  	_ =	swait.ge [sflag:s0], $0x2000  }
0x128: {  	[sflag:s0] =	ssyncset.done $0x0  }
0x129: {  	[sflag:s0] =	ssyncadd.s32 $0xFFFFE000  }
0x12a: {  	[hbm4b:s17+s3] =	stream.linear.scatter [tilespmem:s28], [sflag:$0x2], $0x2000, $0x38;
	[tilespmem:$0x2080] =	vst v63  }
0x12b: {  	_ =	swait.ge [sflag:s26], $0x2000  }
0x12c: {  	[sflag:s26] =	ssyncset.done $0x0  }
0x12d: {  	[sflag:s26] =	ssyncadd.s32 $0xFFFFE000  }
0x12e: {  	[tilespmem:s3], [sflag:$0x2] =	stream.linear.gather [hbm4b:s8+s3], $0x10, $0x38;
	[tilespmem:$0x2080] =	vst v63  }
0x12f: {  	_ =	swait.ge [sflag:s26], $0x10  }
0x130: {  	[sflag:s26] =	ssyncset.done $0x0  }
0x131: {  	[sflag:s26] =	ssyncadd.s32 $0xFFFFFFF0  }
0x132: {  	v3 =	vld [tilespmem:$0x0];
	_ =	sdelay $0x4  }
0x133: {  	v58 =	vshll.u32 v3, $0x2  }
0x134: {  	v3 =	vand.u32 $0x7, v3;
	v4 =	vand.u32 $0xFFFFFFE0, v58  }
0x135: {  	v3 =	vor.u32 v3, v4  }
0x136: {  	v4 =	vperm.xlane v3, v0;
	_ =	sdelay $0x1  }
0x137: {  	v4 =	vadd.s32 v1, v4;
	_ =	sdelay $0x1  }
0x138: {  	v3 =	vperm.xlane v3, v2;
	_ =	sdelay $0x1  }
0x139: {  	v3 =	vadd.s32 v1, v3  }
0x13a: {  	[tilespmem:s28], [sflag:$0x1] =	stream.indirect_vreg.gather [hbm4b:s2+s3], $0x80, v4, vm0, $0xb8;
	[tilespmem:$0x2080] =	vst v63  }
0x13b: {  	_ = 	snop  }
0x13c: {  	[tilespmem:s29], [sflag:$0x1] =	stream.indirect_vreg.gather [hbm4b:s24+s3], $0x80, v4, vm0, $0xb8;
	[tilespmem:$0x2080] =	vst v63  }
0x13d: {  	_ = 	snop  }
0x13e: {  	[tilespmem:s30], [sflag:$0x1] =	stream.indirect_vreg.gather [hbm4b:s2+s3], $0x80, v3, vm0, $0xb8;
	[tilespmem:$0x2080] =	vst v63  }
0x13f: {  	_ = 	snop  }
0x140: {  	[tilespmem:s31], [sflag:$0x1] =	stream.indirect_vreg.gather [hbm4b:s24+s3], $0x80, v3, vm0, $0xb8;
	[tilespmem:$0x2080] =	vst v63  }
0x141: {  	_ =	swait.ge [sflag:s0], $0x2000  }
0x142: {  	[sflag:s0] =	ssyncset.done $0x0  }
0x143: {  	[sflag:s0] =	ssyncadd.s32 $0xFFFFE000  }
0x144: {  	[hbm4b:s18+s3] =	stream.linear.scatter [tilespmem:s28], [sflag:$0x2], $0x2000, $0x38;
	[tilespmem:$0x2080] =	vst v63  }
0x145: {  	_ =	swait.ge [sflag:s26], $0x2000  }
0x146: {  	[sflag:s26] =	ssyncset.done $0x0  }
0x147: {  	[sflag:s26] =	ssyncadd.s32 $0xFFFFE000  }
0x148: {  	[tilespmem:s3], [sflag:$0x2] =	stream.linear.gather [hbm4b:s9+s3], $0x10, $0x38;
	[tilespmem:$0x2080] =	vst v63  }
0x149: {  	_ =	swait.ge [sflag:s26], $0x10  }
0x14a: {  	[sflag:s26] =	ssyncset.done $0x0  }
0x14b: {  	[sflag:s26] =	ssyncadd.s32 $0xFFFFFFF0  }
0x14c: {  	v3 =	vld [tilespmem:$0x0];
	_ =	sdelay $0x4  }
0x14d: {  	v59 =	vshll.u32 v3, $0x2  }
0x14e: {  	v3 =	vand.u32 $0x7, v3;
	v4 =	vand.u32 $0xFFFFFFE0, v59  }
0x14f: {  	v3 =	vor.u32 v3, v4  }
0x150: {  	v4 =	vperm.xlane v3, v0;
	_ =	sdelay $0x1  }
0x151: {  	v4 =	vadd.s32 v1, v4;
	_ =	sdelay $0x1  }
0x152: {  	v3 =	vperm.xlane v3, v2;
	_ =	sdelay $0x1  }
0x153: {  	v3 =	vadd.s32 v1, v3  }
0x154: {  	[tilespmem:s28], [sflag:$0x1] =	stream.indirect_vreg.gather [hbm4b:s2+s3], $0x80, v4, vm0, $0xb8;
	[tilespmem:$0x2080] =	vst v63  }
0x155: {  	_ = 	snop  }
0x156: {  	[tilespmem:s29], [sflag:$0x1] =	stream.indirect_vreg.gather [hbm4b:s24+s3], $0x80, v4, vm0, $0xb8;
	[tilespmem:$0x2080] =	vst v63  }
0x157: {  	_ = 	snop  }
0x158: {  	[tilespmem:s30], [sflag:$0x1] =	stream.indirect_vreg.gather [hbm4b:s2+s3], $0x80, v3, vm0, $0xb8;
	[tilespmem:$0x2080] =	vst v63  }
0x159: {  	_ = 	snop  }
0x15a: {  	[tilespmem:s31], [sflag:$0x1] =	stream.indirect_vreg.gather [hbm4b:s24+s3], $0x80, v3, vm0, $0xb8;
	[tilespmem:$0x2080] =	vst v63  }
0x15b: {  	_ =	swait.ge [sflag:s0], $0x2000  }
0x15c: {  	[sflag:s0] =	ssyncset.done $0x0  }
0x15d: {  	[sflag:s0] =	ssyncadd.s32 $0xFFFFE000  }
0x15e: {  	[hbm4b:s19+s3] =	stream.linear.scatter [tilespmem:s28], [sflag:$0x2], $0x2000, $0x38;
	[tilespmem:$0x2080] =	vst v63  }
0x15f: {  	_ =	swait.ge [sflag:s26], $0x2000  }
0x160: {  	[sflag:s26] =	ssyncset.done $0x0  }
0x161: {  	[sflag:s26] =	ssyncadd.s32 $0xFFFFE000  }
0x162: {  	[tilespmem:s3], [sflag:$0x2] =	stream.linear.gather [hbm4b:s10+s3], $0x10, $0x38;
	[tilespmem:$0x2080] =	vst v63  }
0x163: {  	_ =	swait.ge [sflag:s26], $0x10  }
0x164: {  	[sflag:s26] =	ssyncset.done $0x0  }
0x165: {  	[sflag:s26] =	ssyncadd.s32 $0xFFFFFFF0  }
0x166: {  	v3 =	vld [tilespmem:$0x0];
	_ =	sdelay $0x4  }
0x167: {  	v60 =	vshll.u32 v3, $0x2  }
0x168: {  	v3 =	vand.u32 $0x7, v3;
	v4 =	vand.u32 $0xFFFFFFE0, v60  }
0x169: {  	v3 =	vor.u32 v3, v4  }
0x16a: {  	v4 =	vperm.xlane v3, v0;
	_ =	sdelay $0x1  }
0x16b: {  	v4 =	vadd.s32 v1, v4;
	_ =	sdelay $0x1  }
0x16c: {  	v3 =	vperm.xlane v3, v2;
	_ =	sdelay $0x1  }
0x16d: {  	v3 =	vadd.s32 v1, v3  }
0x16e: {  	[tilespmem:s28], [sflag:$0x1] =	stream.indirect_vreg.gather [hbm4b:s2+s3], $0x80, v4, vm0, $0xb8;
	[tilespmem:$0x2080] =	vst v63  }
0x16f: {  	_ = 	snop  }
0x170: {  	[tilespmem:s29], [sflag:$0x1] =	stream.indirect_vreg.gather [hbm4b:s24+s3], $0x80, v4, vm0, $0xb8;
	[tilespmem:$0x2080] =	vst v63  }
0x171: {  	_ = 	snop  }
0x172: {  	[tilespmem:s30], [sflag:$0x1] =	stream.indirect_vreg.gather [hbm4b:s2+s3], $0x80, v3, vm0, $0xb8;
	[tilespmem:$0x2080] =	vst v63  }
0x173: {  	_ = 	snop  }
0x174: {  	[tilespmem:s31], [sflag:$0x1] =	stream.indirect_vreg.gather [hbm4b:s24+s3], $0x80, v3, vm0, $0xb8;
	[tilespmem:$0x2080] =	vst v63  }
0x175: {  	_ =	swait.ge [sflag:s0], $0x2000  }
0x176: {  	[sflag:s0] =	ssyncset.done $0x0  }
0x177: {  	[sflag:s0] =	ssyncadd.s32 $0xFFFFE000  }
0x178: {  	[hbm4b:s20+s3] =	stream.linear.scatter [tilespmem:s28], [sflag:$0x2], $0x2000, $0x38;
	[tilespmem:$0x2080] =	vst v63  }
0x179: {  	_ =	swait.ge [sflag:s26], $0x2000  }
0x17a: {  	[sflag:s26] =	ssyncset.done $0x0  }
0x17b: {  	[sflag:s26] =	ssyncadd.s32 $0xFFFFE000  }
0x17c: {  	[tilespmem:s3], [sflag:$0x2] =	stream.linear.gather [hbm4b:s11+s3], $0x10, $0x38;
	[tilespmem:$0x2080] =	vst v63  }
0x17d: {  	_ =	swait.ge [sflag:s26], $0x10  }
0x17e: {  	[sflag:s26] =	ssyncset.done $0x0  }
0x17f: {  	[sflag:s26] =	ssyncadd.s32 $0xFFFFFFF0  }
0x180: {  	v3 =	vld [tilespmem:$0x0];
	_ =	sdelay $0x4  }
0x181: {  	v61 =	vshll.u32 v3, $0x2  }
0x182: {  	v3 =	vand.u32 $0x7, v3;
	v4 =	vand.u32 $0xFFFFFFE0, v61  }
0x183: {  	v3 =	vor.u32 v3, v4  }
0x184: {  	v4 =	vperm.xlane v3, v0;
	_ =	sdelay $0x1  }
0x185: {  	v4 =	vadd.s32 v1, v4;
	_ =	sdelay $0x1  }
0x186: {  	v3 =	vperm.xlane v3, v2;
	_ =	sdelay $0x1  }
0x187: {  	v3 =	vadd.s32 v1, v3  }
0x188: {  	[tilespmem:s28], [sflag:$0x1] =	stream.indirect_vreg.gather [hbm4b:s2+s3], $0x80, v4, vm0, $0xb8;
	[tilespmem:$0x2080] =	vst v63  }
0x189: {  	_ = 	snop  }
0x18a: {  	[tilespmem:s29], [sflag:$0x1] =	stream.indirect_vreg.gather [hbm4b:s24+s3], $0x80, v4, vm0, $0xb8;
	[tilespmem:$0x2080] =	vst v63  }
0x18b: {  	_ = 	snop  }
0x18c: {  	[tilespmem:s30], [sflag:$0x1] =	stream.indirect_vreg.gather [hbm4b:s2+s3], $0x80, v3, vm0, $0xb8;
	[tilespmem:$0x2080] =	vst v63  }
0x18d: {  	_ = 	snop  }
0x18e: {  	[tilespmem:s31], [sflag:$0x1] =	stream.indirect_vreg.gather [hbm4b:s24+s3], $0x80, v3, vm0, $0xb8;
	[tilespmem:$0x2080] =	vst v63  }
0x18f: {  	_ =	swait.ge [sflag:s0], $0x2000  }
0x190: {  	[sflag:s0] =	ssyncset.done $0x0  }
0x191: {  	[sflag:s0] =	ssyncadd.s32 $0xFFFFE000  }
0x192: {  	[hbm4b:s21+s3] =	stream.linear.scatter [tilespmem:s28], [sflag:$0x2], $0x2000, $0x38;
	[tilespmem:$0x2080] =	vst v63  }
0x193: {  	_ =	swait.ge [sflag:s26], $0x2000  }
0x194: {  	[sflag:s26] =	ssyncset.done $0x0  }
0x195: {  	[sflag:s26] =	ssyncadd.s32 $0xFFFFE000  }
0x196: {  	[tilespmem:s3], [sflag:$0x2] =	stream.linear.gather [hbm4b:s12+s3], $0x10, $0x38;
	[tilespmem:$0x2080] =	vst v63  }
0x197: {  	_ =	swait.ge [sflag:s26], $0x10  }
0x198: {  	[sflag:s26] =	ssyncset.done $0x0  }
0x199: {  	[sflag:s26] =	ssyncadd.s32 $0xFFFFFFF0  }
0x19a: {  	v3 =	vld [tilespmem:$0x0];
	_ =	sdelay $0x4  }
0x19b: {  	v62 =	vshll.u32 v3, $0x2  }
0x19c: {  	v3 =	vand.u32 $0x7, v3;
	v4 =	vand.u32 $0xFFFFFFE0, v62  }
0x19d: {  	v3 =	vor.u32 v3, v4  }
0x19e: {  	v4 =	vperm.xlane v3, v0;
	_ =	sdelay $0x1  }
0x19f: {  	v4 =	vadd.s32 v1, v4;
	_ =	sdelay $0x1  }
0x1a0: {  	v3 =	vperm.xlane v3, v2;
	_ =	sdelay $0x1  }
0x1a1: {  	v3 =	vadd.s32 v1, v3  }
0x1a2: {  	[tilespmem:s28], [sflag:$0x1] =	stream.indirect_vreg.gather [hbm4b:s2+s3], $0x80, v4, vm0, $0xb8;
	[tilespmem:$0x2080] =	vst v63  }
0x1a3: {  	_ = 	snop  }
0x1a4: {  	[tilespmem:s29], [sflag:$0x1] =	stream.indirect_vreg.gather [hbm4b:s24+s3], $0x80, v4, vm0, $0xb8;
	[tilespmem:$0x2080] =	vst v63  }
0x1a5: {  	_ = 	snop  }
0x1a6: {  	[tilespmem:s30], [sflag:$0x1] =	stream.indirect_vreg.gather [hbm4b:s2+s3], $0x80, v3, vm0, $0xb8;
	[tilespmem:$0x2080] =	vst v63  }
0x1a7: {  	_ = 	snop  }
0x1a8: {  	[tilespmem:s31], [sflag:$0x1] =	stream.indirect_vreg.gather [hbm4b:s24+s3], $0x80, v3, vm0, $0xb8;
	[tilespmem:$0x2080] =	vst v63  }
0x1a9: {  	_ =	swait.ge [sflag:s0], $0x2000  }
0x1aa: {  	[sflag:s0] =	ssyncset.done $0x0  }
0x1ab: {  	[sflag:s0] =	ssyncadd.s32 $0xFFFFE000  }
0x1ac: {  	[hbm4b:s22+s3] =	stream.linear.scatter [tilespmem:s28], [sflag:$0x2], $0x2000, $0x38;
	[tilespmem:$0x2080] =	vst v63  }
0x1ad: {  	_ =	swait.ge [sflag:s26], $0x2000  }
0x1ae: {  	[sflag:s26] =	ssyncset.done $0x0  }
0x1af: {  	[sflag:s26] =	ssyncadd.s32 $0xFFFFE000  }
0x1b0: {  	[tilespmem:s3], [sflag:$0x2] =	stream.linear.gather [hbm4b:s13+s3], $0x10, $0x38;
	[tilespmem:$0x2080] =	vst v63  }
0x1b1: {  	_ =	swait.ge [sflag:s26], $0x10  }
0x1b2: {  	[sflag:s26] =	ssyncset.done $0x0  }
0x1b3: {  	[sflag:s26] =	ssyncadd.s32 $0xFFFFFFF0  }
0x1b4: {  	v3 =	vld [tilespmem:$0x0];
	_ =	sdelay $0x4  }
0x1b5: {  	v63 =	vshll.u32 v3, $0x2  }
0x1b6: {  	v3 =	vand.u32 $0x7, v3;
	v4 =	vand.u32 $0xFFFFFFE0, v63  }
0x1b7: {  	v3 =	vor.u32 v3, v4  }
0x1b8: {  	v4 =	vperm.xlane v3, v0;
	_ =	sdelay $0x1  }
0x1b9: {  	v4 =	vadd.s32 v1, v4;
	_ =	sdelay $0x1  }
0x1ba: {  	v3 =	vperm.xlane v3, v2;
	_ =	sdelay $0x1  }
0x1bb: {  	v3 =	vadd.s32 v1, v3  }
0x1bc: {  	[tilespmem:s28], [sflag:$0x1] =	stream.indirect_vreg.gather [hbm4b:s2+s3], $0x80, v4, vm0, $0xb8;
	[tilespmem:$0x2080] =	vst v63  }
0x1bd: {  	_ = 	snop  }
0x1be: {  	[tilespmem:s29], [sflag:$0x1] =	stream.indirect_vreg.gather [hbm4b:s24+s3], $0x80, v4, vm0, $0xb8;
	[tilespmem:$0x2080] =	vst v63  }
0x1bf: {  	_ = 	snop  }
0x1c0: {  	[tilespmem:s30], [sflag:$0x1] =	stream.indirect_vreg.gather [hbm4b:s2+s3], $0x80, v3, vm0, $0xb8;
	[tilespmem:$0x2080] =	vst v63  }
0x1c1: {  	_ = 	snop  }
0x1c2: {  	[tilespmem:s31], [sflag:$0x1] =	stream.indirect_vreg.gather [hbm4b:s24+s3], $0x80, v3, vm0, $0xb8;
	[tilespmem:$0x2080] =	vst v63  }
0x1c3: {  	_ =	swait.ge [sflag:s0], $0x2000  }
0x1c4: {  	p0 =	sne.s32 s25, $0x1;
	[sflag:s0] =	ssyncset.done $0x0  }
.Ltmp0:
0x1c5: {  	[sflag:s0] =	ssyncadd.s32 $0xFFFFE000;
	(pc) =	sbr.rel @p0 .LBB2_1-.Ltmp0, $4  }
0x1c6: {  	[hbm4b:s23+s3] =	stream.linear.scatter [tilespmem:s28], [sflag:$0x2], $0x2000, $0x38;
	[tilespmem:$0x2080] =	vst v63  }
0x1c7: {  	_ =	swait.ge [sflag:s26], $0x2000  }
0x1c8: {  	[sflag:s26] =	ssyncset.done $0x0  }
0x1c9: {  	s25 =	sadd.s32 $0xFFFFFFFF, s25;
	[sflag:s26] =	ssyncadd.s32 $0xFFFFE000  }
0x1ca: {  	_ =	sfence.sel $0x180000  }
0x1cb: {  	[bflag:$0x0] =	sbarrier.arrive $0xFFFF  }
0x1cc: {  	_ =	strace $0x90000047  }
0x1cd: {  	s0 =	stileid.u32;
	[bflag:$0x2] =	sbarrier.arrive $0xFFFF  }
0x1ce: {  	p0 =	sne.s32 s0, $0x0;
	s0 =	rddreg [dreg:$0x2]  }
0x1cf: {  	s0 =	sadd.s32 @!p0 $0x100000, s0  }
0x1d0: {  	[sflag:s0] =	ssyncadd.tile.s32 @!p0 $0x1;
	_ =	shalt  }
.Lfunc_end2:
_tile_overlayer_lowered:
.L_overlay_start_2:
0x1d1: {  	(tag) =	ssettag $0x2  }
0x1d2: {  	s0 =	rddreg [dreg:$0x0];
	s2 =	stileid.u32  }
0x1d3: {  	s1 =	rddreg [dreg:$0x1];
	p0 =	sne.s32 s2, $0x0  }
0x1d4: {  	s3 =	rddreg [dreg:$0x2];
	[bflag:$0x3] =	sbarrier.arrive $0xFFFF;
	s2 =	simm.s32 @!p0 $0x1C02  }
0x1d5: {  	[timem:s3], [sflag:s2] =	dma.local @!p0 [hbm:s0], s1  }
0x1d6: {  	s0 =	simm.s32 @!p0 $0x2  }
0x1d7: {  	_ =	swait.ge @!p0 [sflag:s0], s1  }
0x1d8: {  	s1 =	ssub.s32 @!p0 $0x0, s1;
	[sflag:s0] =	ssyncset.done @!p0 $0x0  }
0x1d9: {  	[sflag:s0] =	ssyncadd.s32 @!p0 s1  }
0x1da: {  	[bflag:$0x3] =	sbarrier.arrive $0xFFFF  }
0x1db: {  	_ =	shalt  }

</sc_bundles>
